<compile_context>
chip_gen: v7x
topology: tpu7x:2x2x1
jax: 0.10.2.dev20260603
libtpu: 0.0.44.dev20260713+nightly
codegen_flags: <defaults>
</compile_context>

<pallas_src>
import functools

import jax
import jax.numpy as jnp
from jax import lax
from jax.experimental import pallas as pl
from jax.experimental.pallas import tpu as pltpu
from jax.experimental.pallas import tpu_sc as plsc

_N, _E, _D, _G = 10000, 320000, 128, 64
_HD = _D // 2
_NC, _NS = 2, 16
_EPS = _E // _NS
_ECH = 125
_NCHUNK = _EPS // _ECH
_NP = 10240
_RPS = _NP // _NS
_RCH = 128
_RNCH = _RPS // _RCH


_NB = 4
_PF = 3


def _sc_body(feat_h, src_h, dst_h, zero_h, out_h,
             src_v, dst_v, big, acc,
             gs0, gs1, gs2, gs3):
  gsem = (gs0, gs1, gs2, gs3)
  ssem = gsem
  c = lax.axis_index("c")
  s = lax.axis_index("s")
  row0 = s * _RPS
  gw = tuple(big.at[pl.ds(b * _RCH, _ECH)] for b in range(_NB))

  pltpu.sync_copy(src_h.at[c, s], src_v)
  pltpu.sync_copy(dst_h.at[s], dst_v)

  pltpu.sync_copy(zero_h, acc.at[pl.ds(row0, _RPS)])
  plsc.subcore_barrier()

  for b in range(_PF):
    pltpu.async_copy(feat_h.at[src_v.at[b]], gw[b], gsem[b])

  def step(i, carry):
    for b in range(_NB):
      j = _NB * i + b
      pltpu.make_async_copy(feat_h.at[src_v.at[j]], gw[b], gsem[b]).wait()
      pltpu.async_copy(gw[b], acc.at[dst_v.at[j]], ssem[b], add=True)
      jn = j + _PF
      bn = (b + _PF) % _NB

      @pl.when(jn < _NCHUNK)
      def _(jn=jn, bn=bn):
        @pl.when(jn >= _NB)
        def _():
          pltpu.make_async_copy(
              gw[bn], acc.at[dst_v.at[jn - _NB]], ssem[bn]).wait()

        pltpu.async_copy(feat_h.at[src_v.at[jn]], gw[bn], gsem[bn])

    return carry

  lax.fori_loop(0, _NCHUNK // _NB, step, 0)

  for b in range(_NB):
    j = _NCHUNK - _NB + b
    pltpu.make_async_copy(gw[b], acc.at[dst_v.at[j]], ssem[b]).wait()
  plsc.subcore_barrier()

  pltpu.sync_copy(acc.at[pl.ds(row0, _RPS)], out_h.at[c, pl.ds(row0, _RPS)])


@functools.cache
def _sc_seg_sum_fn():
  return pl.kernel(
      _sc_body,
      out_type=jax.ShapeDtypeStruct((_NC, _NP, _HD), jnp.float32),
      mesh=plsc.VectorSubcoreMesh(
          core_axis_name="c", subcore_axis_name="s",
          num_cores=_NC, num_subcores=_NS),
      compiler_params=pltpu.CompilerParams(use_tc_tiling_on_sc=False),
      scratch_types=[
          pltpu.VMEM((_NCHUNK, _ECH), jnp.int32),
          pltpu.VMEM((_NCHUNK, _ECH), jnp.int32),
          pltpu.VMEM((max(_NB * _RCH, _RPS), _HD), jnp.float32),
          pltpu.VMEM_SHARED((_NP, _HD), jnp.float32),
      ] + [pltpu.SemaphoreType.DMA] * _NB,
  )


def _sc_seg_sum(feat_stacked, src2, dst, zeros_chunk):
  return _sc_seg_sum_fn()(feat_stacked, src2, dst, zeros_chunk)


def _gin_mlp(z, W1, b1, g, be, W2, b2):
  h = jnp.dot(z, W1, preferred_element_type=jnp.float32) + b1
  mean = jnp.mean(h, axis=0, keepdims=True)
  var = jnp.mean((h - mean) ** 2, axis=0, keepdims=True)
  h = (h - mean) / jnp.sqrt(var + 1e-5) * g + be
  h = jnp.maximum(h, 0.0)
  h = jnp.dot(h, W2, preferred_element_type=jnp.float32) + b2
  return jnp.maximum(h, 0.0)


def _unstack(q):
  P, Q = q[0], q[1]
  a = jnp.concatenate(
      [P[:, :_HD], Q[:, :_HD], P[:, _HD:], Q[:, _HD:]], axis=1)
  return a.reshape(_NP, _D)[:_N]


def _tc1_body(x, p, W1, b1, g1, be1, W2, b2, h1_out):
  z = x[...] + _unstack(p)
  h1_out[...] = _gin_mlp(z, W1[...], b1[...], g1[...], be1[...],
                         W2[...], b2[...])


def _tc2_body(h1, q, W3, b3, g2, be2, W4, b4, Wr1, br1, Wr2, br2, Wr3, br3,
              Wm1, bm1, Wm2, bm2, batch2d, out_o, xrec_o):
  z = h1[...] + _unstack(q)
  h2 = _gin_mlp(z, W3[...], b3[...], g2[...], be2[...], W4[...], b4[...])

  r = jnp.maximum(jnp.dot(h2, Wr1[...],
                          preferred_element_type=jnp.float32) + br1[...], 0.0)
  r = jnp.maximum(jnp.dot(r, Wr2[...],
                          preferred_element_type=jnp.float32) + br2[...], 0.0)
  xrec_o[...] = jnp.maximum(
      jnp.dot(r, Wr3[...], preferred_element_type=jnp.float32) + br3[...], 0.0)

  gids = lax.broadcasted_iota(jnp.int32, (_N, _G), 1)
  onehot = (batch2d[...] == gids).astype(jnp.float32)
  pooled = lax.dot_general(onehot, h2, (((0,), (0,)), ((), ())),
                           preferred_element_type=jnp.float32)
  m = jnp.maximum(jnp.dot(pooled, Wm1[...],
                          preferred_element_type=jnp.float32) + bm1[...], 0.0)
  out_o[...] = jnp.dot(m, Wm2[...],
                       preferred_element_type=jnp.float32) + bm2[...]


_tc1 = pl.pallas_call(
    _tc1_body,
    out_shape=jax.ShapeDtypeStruct((_N, _D), jnp.float32),
)

_tc2 = pl.pallas_call(
    _tc2_body,
    out_shape=(
        jax.ShapeDtypeStruct((_G, 64), jnp.float32),
        jax.ShapeDtypeStruct((_N, 4), jnp.float32),
    ),
)


def kernel(x, W1, b1, g1, be1, W2, b2, W3, b3, g2, be2, W4, b4,
           Wr1, br1, Wr2, br2, Wr3, br3, Wm1, bm1, Wm2, bm2,
           edge_index, batch):
  src = edge_index[0].reshape(_NS, _NCHUNK, _ECH)
  src2 = jnp.stack([2 * src, 2 * src + 1])
  dst = edge_index[1].reshape(_NS, _NCHUNK, _ECH)
  zeros_chunk = jnp.zeros((_RPS, _HD), jnp.float32)

  pview = lambda t: t.reshape(_NC, _NP // 2, _D)
  p1 = _sc_seg_sum(x.reshape(2 * _N, _HD), src2, dst, zeros_chunk)
  h1 = _tc1(x, pview(p1), W1, b1, g1, be1, W2, b2)
  q = _sc_seg_sum(h1.reshape(2 * _N, _HD), src2, dst, zeros_chunk)
  out, x_rec = _tc2(h1, pview(q), W3, b3, g2, be2, W4, b4,
                    Wr1, br1, Wr2, br2, Wr3, br3,
                    Wm1, bm1, Wm2, bm2,
                    batch.reshape(_N, 1))
  return (out, x_rec)

# --- scband reference (transcript-rebuilt; emitter-appended) ---
"""Pipeline reference for scband-gin-rec-38371237822819 (READ-ONLY COPY).

The authoritative reference and input builder live on the scoring server;
editing this copy changes nothing except your own understanding.
"""

import jax, jax.numpy as jnp
import numpy as np

N, E, D, H, O, G = 10000, 320000, 128, 128, 64, 64

def _bn(z, gamma, beta):
    mean = jnp.mean(z, axis=0)
    var = jnp.var(z, axis=0)
    return (z - mean) / jnp.sqrt(var + 1e-5) * gamma + beta

def setup_inputs(seed: int = 0):
    key = jax.random.key(seed)
    ks = jax.random.split(key, 16)
    def lin(k, fi, fo):
        return jax.random.normal(k, (fi, fo), dtype=jnp.float32) * (1.0 / np.sqrt(fi))
    inp = {}
    inp["x"] = jax.random.normal(ks[0], (N, D), dtype=jnp.float32)
    inp["W1"] = lin(ks[1], D, H); inp["b1"] = jnp.zeros((H,), jnp.float32)
    inp["g1"] = jnp.ones((H,), jnp.float32); inp["be1"] = jnp.zeros((H,), jnp.float32)
    inp["W2"] = lin(ks[2], H, H); inp["b2"] = jnp.zeros((H,), jnp.float32)
    inp["W3"] = lin(ks[3], H, H); inp["b3"] = jnp.zeros((H,), jnp.float32)
    inp["g2"] = jnp.ones((H,), jnp.float32); inp["be2"] = jnp.zeros((H,), jnp.float32)
    inp["W4"] = lin(ks[4], H, H); inp["b4"] = jnp.zeros((H,), jnp.float32)
    inp["Wr1"] = lin(ks[5], H, H); inp["br1"] = jnp.zeros((H,), jnp.float32)
    inp["Wr2"] = lin(ks[6], H, H); inp["br2"] = jnp.zeros((H,), jnp.float32)
    inp["Wr3"] = lin(ks[7], H, 4); inp["br3"] = jnp.zeros((4,), jnp.float32)
    inp["Wm1"] = lin(ks[8], H, H); inp["bm1"] = jnp.zeros((H,), jnp.float32)
    inp["Wm2"] = lin(ks[9], H, O); inp["bm2"] = jnp.zeros((O,), jnp.float32)
    inp["edge_index"] = jax.random.randint(ks[10], (2, E), 0, N, dtype=jnp.int32)
    inp["batch"] = jnp.sort(jax.random.randint(ks[11], (N,), 0, G, dtype=jnp.int32))
    return inp

def _gin(x, src, dst, W1, b1, g, be, W2, b2):
    # GINConv with train_eps=False (eps=0): nn(x + sum_{j in N(i)} x_j)
    agg = jax.ops.segment_sum(x[src], dst, num_segments=x.shape[0])
    z = x + agg
    h = jnp.dot(z, W1) + b1
    h = jax.nn.relu(_bn(h, g, be))
    h = jnp.dot(h, W2) + b2
    return jax.nn.relu(h)

def reference(x, W1, b1, g1, be1, W2, b2, W3, b3, g2, be2, W4, b4, Wr1, br1, Wr2, br2, Wr3, br3, Wm1, bm1, Wm2, bm2, edge_index, batch):
    src, dst = edge_index[0], edge_index[1]
    h = _gin(x, src, dst, W1, b1, g1, be1, W2, b2)
    h = _gin(h, src, dst, W3, b3, g2, be2, W4, b4)
    x_rec = jax.nn.relu(jnp.dot(jax.nn.relu(jnp.dot(jax.nn.relu(jnp.dot(h, Wr1) + br1), Wr2) + br2), Wr3) + br3)
    pooled = jax.ops.segment_sum(h, batch, num_segments=G)
    out = jnp.dot(jax.nn.relu(jnp.dot(pooled, Wm1) + bm1), Wm2) + bm2
    return (out, x_rec)

if __name__ == "__main__":
    import jax
    _d = setup_inputs()
    print(jax.jit(kernel)(*tuple(_d.values())))

</pallas_src>

<mosaic_0001>
#map = affine_map<(d0, d1) -> (0, 0)>
#map1 = affine_map<(d0, d1) -> (0, 0, 0, 0)>
#map2 = affine_map<(d0, d1) -> (0, 0, 0)>
module attributes {stable_mosaic.version = 14 : i64} {
  func.func @_sc_body(%arg0: i32, %arg1: i32, %arg2: memref<20000x64xf32, #tpu.memory_space<hbm>>, %arg3: memref<2x16x160x125xi32, #tpu.memory_space<hbm>>, %arg4: memref<16x160x125xi32, #tpu.memory_space<hbm>>, %arg5: memref<640x64xf32, #tpu.memory_space<hbm>>, %arg6: memref<2x10240x64xf32, #tpu.memory_space<hbm>>, %arg7: memref<160x125xi32, #tpu.memory_space<vmem>>, %arg8: memref<160x125xi32, #tpu.memory_space<vmem>>, %arg9: memref<640x64xf32, #tpu.memory_space<vmem>>, %arg10: memref<10240x64xf32, #tpu.memory_space<vmem_shared>>, %arg11: memref<!tpu.dma_semaphore, #tpu.memory_space<semaphore_mem>>, %arg12: memref<!tpu.dma_semaphore, #tpu.memory_space<semaphore_mem>>, %arg13: memref<!tpu.dma_semaphore, #tpu.memory_space<semaphore_mem>>, %arg14: memref<!tpu.dma_semaphore, #tpu.memory_space<semaphore_mem>>) attributes {dimension_semantics = [#tpu.dimension_semantics<core_parallel>, #tpu.dimension_semantics<subcore_parallel>], iteration_bounds = array<i64: 2, 16>, scalar_prefetch = 0 : i64, scratch_operands = 8 : i64, tpu.core_type = #tpu.core_type<sc_vector_subcore>, window_params = [{transform_indices = #map}, {transform_indices = #map1}, {transform_indices = #map2}, {transform_indices = #map}, {transform_indices = #map2}]} {
    %mul3A = arith.constant 640 : i32
    %mul3A_0 = arith.muli %arg1, %mul3A : i32
    "tpu.region"() ({
      %run_scoped3A = tpu.sem_alloc : memref<!tpu.dma_semaphore, #tpu.memory_space<semaphore_mem>>
      %dma_start3A_75 = arith.constant 0 : i32
      %dma_start3A_76 = arith.constant 0 : i32
      %dma_start3A_77 = tpu.memref_slice %arg3[%arg0, %arg1, %dma_start3A_75, %dma_start3A_76] : memref<2x16x160x125xi32, #tpu.memory_space<hbm>> -> memref<1x1x160x125xi32, #tpu.memory_space<hbm>>
      %dma_start3A_78 = tpu.memref_squeeze %dma_start3A_77 : memref<1x1x160x125xi32, #tpu.memory_space<hbm>> -> memref<160x125xi32, #tpu.memory_space<hbm>>
      %dma_start3A_79 = arith.constant 0 : i32
      %dma_start3A_80 = arith.constant 0 : i32
      %dma_start3A_81 = tpu.memref_slice %arg3[%arg0, %arg1, %dma_start3A_79, %dma_start3A_80] : memref<2x16x160x125xi32, #tpu.memory_space<hbm>> -> memref<1x1x160x125xi32, #tpu.memory_space<hbm>>
      %dma_start3A_82 = tpu.memref_squeeze %dma_start3A_81 : memref<1x1x160x125xi32, #tpu.memory_space<hbm>> -> memref<160x125xi32, #tpu.memory_space<hbm>>
      tpu.enqueue_dma source(%dma_start3A_82 : memref<160x125xi32, #tpu.memory_space<hbm>>) target(%arg7 : memref<160x125xi32, #tpu.memory_space<vmem>>) target_semaphore(%run_scoped3A : memref<!tpu.dma_semaphore, #tpu.memory_space<semaphore_mem>>)
      %dma_wait3A_83 = arith.constant 0 : i32
      %dma_wait3A_84 = arith.constant 0 : i32
      %dma_wait3A_85 = tpu.memref_slice %arg3[%arg0, %arg1, %dma_wait3A_83, %dma_wait3A_84] : memref<2x16x160x125xi32, #tpu.memory_space<hbm>> -> memref<1x1x160x125xi32, #tpu.memory_space<hbm>>
      %dma_wait3A_86 = tpu.memref_squeeze %dma_wait3A_85 : memref<1x1x160x125xi32, #tpu.memory_space<hbm>> -> memref<160x125xi32, #tpu.memory_space<hbm>>
      %dma_wait3A_87 = arith.constant 0 : i32
      %dma_wait3A_88 = arith.constant 0 : i32
      %dma_wait3A_89 = tpu.memref_slice %arg3[%arg0, %arg1, %dma_wait3A_87, %dma_wait3A_88] : memref<2x16x160x125xi32, #tpu.memory_space<hbm>> -> memref<1x1x160x125xi32, #tpu.memory_space<hbm>>
      %dma_wait3A_90 = tpu.memref_squeeze %dma_wait3A_89 : memref<1x1x160x125xi32, #tpu.memory_space<hbm>> -> memref<160x125xi32, #tpu.memory_space<hbm>>
      tpu.wait_dma2 semaphore(%run_scoped3A : memref<!tpu.dma_semaphore, #tpu.memory_space<semaphore_mem>>) src(%dma_wait3A_90 : memref<160x125xi32, #tpu.memory_space<hbm>>) dst(%arg7 : memref<160x125xi32, #tpu.memory_space<vmem>>)
      tpu.yield
    }) : () -> ()
    "tpu.region"() ({
      %run_scoped3A = tpu.sem_alloc : memref<!tpu.dma_semaphore, #tpu.memory_space<semaphore_mem>>
      %dma_start3A_75 = arith.constant 0 : i32
      %dma_start3A_76 = arith.constant 0 : i32
      %dma_start3A_77 = tpu.memref_slice %arg4[%arg1, %dma_start3A_75, %dma_start3A_76] : memref<16x160x125xi32, #tpu.memory_space<hbm>> -> memref<1x160x125xi32, #tpu.memory_space<hbm>>
      %dma_start3A_78 = tpu.memref_squeeze %dma_start3A_77 : memref<1x160x125xi32, #tpu.memory_space<hbm>> -> memref<160x125xi32, #tpu.memory_space<hbm>>
      %dma_start3A_79 = arith.constant 0 : i32
      %dma_start3A_80 = arith.constant 0 : i32
      %dma_start3A_81 = tpu.memref_slice %arg4[%arg1, %dma_start3A_79, %dma_start3A_80] : memref<16x160x125xi32, #tpu.memory_space<hbm>> -> memref<1x160x125xi32, #tpu.memory_space<hbm>>
      %dma_start3A_82 = tpu.memref_squeeze %dma_start3A_81 : memref<1x160x125xi32, #tpu.memory_space<hbm>> -> memref<160x125xi32, #tpu.memory_space<hbm>>
      tpu.enqueue_dma source(%dma_start3A_82 : memref<160x125xi32, #tpu.memory_space<hbm>>) target(%arg8 : memref<160x125xi32, #tpu.memory_space<vmem>>) target_semaphore(%run_scoped3A : memref<!tpu.dma_semaphore, #tpu.memory_space<semaphore_mem>>)
      %dma_wait3A_83 = arith.constant 0 : i32
      %dma_wait3A_84 = arith.constant 0 : i32
      %dma_wait3A_85 = tpu.memref_slice %arg4[%arg1, %dma_wait3A_83, %dma_wait3A_84] : memref<16x160x125xi32, #tpu.memory_space<hbm>> -> memref<1x160x125xi32, #tpu.memory_space<hbm>>
      %dma_wait3A_86 = tpu.memref_squeeze %dma_wait3A_85 : memref<1x160x125xi32, #tpu.memory_space<hbm>> -> memref<160x125xi32, #tpu.memory_space<hbm>>
      %dma_wait3A_87 = arith.constant 0 : i32
      %dma_wait3A_88 = arith.constant 0 : i32
      %dma_wait3A_89 = tpu.memref_slice %arg4[%arg1, %dma_wait3A_87, %dma_wait3A_88] : memref<16x160x125xi32, #tpu.memory_space<hbm>> -> memref<1x160x125xi32, #tpu.memory_space<hbm>>
      %dma_wait3A_90 = tpu.memref_squeeze %dma_wait3A_89 : memref<1x160x125xi32, #tpu.memory_space<hbm>> -> memref<160x125xi32, #tpu.memory_space<hbm>>
      tpu.wait_dma2 semaphore(%run_scoped3A : memref<!tpu.dma_semaphore, #tpu.memory_space<semaphore_mem>>) src(%dma_wait3A_90 : memref<160x125xi32, #tpu.memory_space<hbm>>) dst(%arg8 : memref<160x125xi32, #tpu.memory_space<vmem>>)
      tpu.yield
    }) : () -> ()
    "tpu.region"() ({
      %run_scoped3A = tpu.sem_alloc : memref<!tpu.dma_semaphore, #tpu.memory_space<semaphore_mem>>
      %dma_start3A_75 = arith.constant 0 : i32
      %dma_start3A_76 = tpu.memref_slice %arg10[%mul3A_0, %dma_start3A_75] : memref<10240x64xf32, #tpu.memory_space<vmem_shared>> -> memref<640x64xf32, #tpu.memory_space<vmem_shared>>
      tpu.enqueue_dma source(%arg5 : memref<640x64xf32, #tpu.memory_space<hbm>>) target(%dma_start3A_76 : memref<640x64xf32, #tpu.memory_space<vmem_shared>>) target_semaphore(%run_scoped3A : memref<!tpu.dma_semaphore, #tpu.memory_space<semaphore_mem>>)
      %dma_wait3A_77 = arith.constant 0 : i32
      %dma_wait3A_78 = tpu.memref_slice %arg10[%mul3A_0, %dma_wait3A_77] : memref<10240x64xf32, #tpu.memory_space<vmem_shared>> -> memref<640x64xf32, #tpu.memory_space<vmem_shared>>
      tpu.wait_dma2 semaphore(%run_scoped3A : memref<!tpu.dma_semaphore, #tpu.memory_space<semaphore_mem>>) src(%arg5 : memref<640x64xf32, #tpu.memory_space<hbm>>) dst(%dma_wait3A_78 : memref<640x64xf32, #tpu.memory_space<vmem_shared>>)
      tpu.yield
    }) : () -> ()
    %barrier3A = arith.constant 0 : index
    tpu.barrier barrier_id(%barrier3A)
    %dma_start3A = arith.constant 0 : i32
    %dma_start3A_1 = arith.constant 0 : i32
    %dma_start3A_2 = arith.constant 0 : i32
    %dma_start3A_3 = tpu.memref_slice %arg9[%dma_start3A_1, %dma_start3A_2] : memref<640x64xf32, #tpu.memory_space<vmem>> -> memref<125x64xf32, #tpu.memory_space<vmem>>
    %dma_start3A_4 = arith.constant 0 : i32
    %dma_start3A_5 = tpu.memref_slice %arg7[%dma_start3A, %dma_start3A_4] : memref<160x125xi32, #tpu.memory_space<vmem>> -> memref<1x125xi32, #tpu.memory_space<vmem>>
    %dma_start3A_6 = tpu.memref_squeeze %dma_start3A_5 : memref<1x125xi32, #tpu.memory_space<vmem>> -> memref<125xi32, #tpu.memory_space<vmem>>
    %dma_start3A_7 = arith.constant 0 : i32
    %dma_start3A_8 = arith.constant 0 : i32
    %dma_start3A_9 = tpu.memref_slice %arg2[%dma_start3A_7, %dma_start3A_8] : memref<20000x64xf32, #tpu.memory_space<hbm>> -> memref<20000x64xf32, #tpu.memory_space<hbm>>
    tpu.enqueue_indirect_dma source(%dma_start3A_9 : memref<20000x64xf32, #tpu.memory_space<hbm>>) target(%dma_start3A_3 : memref<125x64xf32, #tpu.memory_space<vmem>>) offsets(%dma_start3A_6 : memref<125xi32, #tpu.memory_space<vmem>>) semaphore(%arg11 : memref<!tpu.dma_semaphore, #tpu.memory_space<semaphore_mem>>)
    %dma_start3A_10 = arith.constant 1 : i32
    %dma_start3A_11 = arith.constant 128 : i32
    %dma_start3A_12 = arith.constant 0 : i32
    %dma_start3A_13 = tpu.memref_slice %arg9[%dma_start3A_11, %dma_start3A_12] : memref<640x64xf32, #tpu.memory_space<vmem>> -> memref<125x64xf32, #tpu.memory_space<vmem>>
    %dma_start3A_14 = arith.constant 0 : i32
    %dma_start3A_15 = tpu.memref_slice %arg7[%dma_start3A_10, %dma_start3A_14] : memref<160x125xi32, #tpu.memory_space<vmem>> -> memref<1x125xi32, #tpu.memory_space<vmem>>
    %dma_start3A_16 = tpu.memref_squeeze %dma_start3A_15 : memref<1x125xi32, #tpu.memory_space<vmem>> -> memref<125xi32, #tpu.memory_space<vmem>>
    %dma_start3A_17 = arith.constant 0 : i32
    %dma_start3A_18 = arith.constant 0 : i32
    %dma_start3A_19 = tpu.memref_slice %arg2[%dma_start3A_17, %dma_start3A_18] : memref<20000x64xf32, #tpu.memory_space<hbm>> -> memref<20000x64xf32, #tpu.memory_space<hbm>>
    tpu.enqueue_indirect_dma source(%dma_start3A_19 : memref<20000x64xf32, #tpu.memory_space<hbm>>) target(%dma_start3A_13 : memref<125x64xf32, #tpu.memory_space<vmem>>) offsets(%dma_start3A_16 : memref<125xi32, #tpu.memory_space<vmem>>) semaphore(%arg12 : memref<!tpu.dma_semaphore, #tpu.memory_space<semaphore_mem>>)
    %dma_start3A_20 = arith.constant 2 : i32
    %dma_start3A_21 = arith.constant 256 : i32
    %dma_start3A_22 = arith.constant 0 : i32
    %dma_start3A_23 = tpu.memref_slice %arg9[%dma_start3A_21, %dma_start3A_22] : memref<640x64xf32, #tpu.memory_space<vmem>> -> memref<125x64xf32, #tpu.memory_space<vmem>>
    %dma_start3A_24 = arith.constant 0 : i32
    %dma_start3A_25 = tpu.memref_slice %arg7[%dma_start3A_20, %dma_start3A_24] : memref<160x125xi32, #tpu.memory_space<vmem>> -> memref<1x125xi32, #tpu.memory_space<vmem>>
    %dma_start3A_26 = tpu.memref_squeeze %dma_start3A_25 : memref<1x125xi32, #tpu.memory_space<vmem>> -> memref<125xi32, #tpu.memory_space<vmem>>
    %dma_start3A_27 = arith.constant 0 : i32
    %dma_start3A_28 = arith.constant 0 : i32
    %dma_start3A_29 = tpu.memref_slice %arg2[%dma_start3A_27, %dma_start3A_28] : memref<20000x64xf32, #tpu.memory_space<hbm>> -> memref<20000x64xf32, #tpu.memory_space<hbm>>
    tpu.enqueue_indirect_dma source(%dma_start3A_29 : memref<20000x64xf32, #tpu.memory_space<hbm>>) target(%dma_start3A_23 : memref<125x64xf32, #tpu.memory_space<vmem>>) offsets(%dma_start3A_26 : memref<125xi32, #tpu.memory_space<vmem>>) semaphore(%arg13 : memref<!tpu.dma_semaphore, #tpu.memory_space<semaphore_mem>>)
    %scan3A = arith.constant 0 : i32
    %scan3A_30 = arith.constant 0 : i32
    %scan3A_31 = arith.constant 40 : i32
    %scan3A_32 = arith.addi %scan3A_30, %scan3A_31 : i32
    %scan3A_33 = arith.constant 1 : i32
    scf.for %scan3A_75 = %scan3A_30 to %scan3A_32 step %scan3A_33  : i32 {
      %mul3A_76 = arith.constant 4 : i32
      %mul3A_77 = arith.muli %mul3A_76, %scan3A_75 : i32
      %add3A = arith.constant 0 : i32
      %add3A_78 = arith.addi %mul3A_77, %add3A : i32
      %dma_wait3A_79 = arith.constant 0 : i32
      %dma_wait3A_80 = arith.constant 0 : i32
      %dma_wait3A_81 = tpu.memref_slice %arg9[%dma_wait3A_79, %dma_wait3A_80] : memref<640x64xf32, #tpu.memory_space<vmem>> -> memref<125x64xf32, #tpu.memory_space<vmem>>
      %dma_wait3A_82 = arith.constant 0 : i32
      %dma_wait3A_83 = tpu.memref_slice %arg7[%add3A_78, %dma_wait3A_82] : memref<160x125xi32, #tpu.memory_space<vmem>> -> memref<1x125xi32, #tpu.memory_space<vmem>>
      %dma_wait3A_84 = tpu.memref_squeeze %dma_wait3A_83 : memref<1x125xi32, #tpu.memory_space<vmem>> -> memref<125xi32, #tpu.memory_space<vmem>>
      %dma_wait3A_85 = arith.constant 0 : i32
      %dma_wait3A_86 = arith.constant 0 : i32
      %dma_wait3A_87 = tpu.memref_slice %arg2[%dma_wait3A_85, %dma_wait3A_86] : memref<20000x64xf32, #tpu.memory_space<hbm>> -> memref<20000x64xf32, #tpu.memory_space<hbm>>
      tpu.wait_indirect_dma semaphore(%arg11 : memref<!tpu.dma_semaphore, #tpu.memory_space<semaphore_mem>>) src(%dma_wait3A_87 : memref<20000x64xf32, #tpu.memory_space<hbm>>) dst(%dma_wait3A_81 : memref<125x64xf32, #tpu.memory_space<vmem>>)
      %dma_start3A_88 = arith.constant 0 : i32
      %dma_start3A_89 = arith.constant 0 : i32
      %dma_start3A_90 = tpu.memref_slice %arg9[%dma_start3A_88, %dma_start3A_89] : memref<640x64xf32, #tpu.memory_space<vmem>> -> memref<125x64xf32, #tpu.memory_space<vmem>>
      %dma_start3A_91 = arith.constant 0 : i32
      %dma_start3A_92 = tpu.memref_slice %arg8[%add3A_78, %dma_start3A_91] : memref<160x125xi32, #tpu.memory_space<vmem>> -> memref<1x125xi32, #tpu.memory_space<vmem>>
      %dma_start3A_93 = tpu.memref_squeeze %dma_start3A_92 : memref<1x125xi32, #tpu.memory_space<vmem>> -> memref<125xi32, #tpu.memory_space<vmem>>
      %dma_start3A_94 = arith.constant 0 : i32
      %dma_start3A_95 = arith.constant 0 : i32
      %dma_start3A_96 = tpu.memref_slice %arg10[%dma_start3A_94, %dma_start3A_95] : memref<10240x64xf32, #tpu.memory_space<vmem_shared>> -> memref<10240x64xf32, #tpu.memory_space<vmem_shared>>
      tpu.enqueue_indirect_dma source(%dma_start3A_90 : memref<125x64xf32, #tpu.memory_space<vmem>>) target(%dma_start3A_96 : memref<10240x64xf32, #tpu.memory_space<vmem_shared>>) offsets(%dma_start3A_93 : memref<125xi32, #tpu.memory_space<vmem>>) semaphore(%arg11 : memref<!tpu.dma_semaphore, #tpu.memory_space<semaphore_mem>>) {add = true}
      %add3A_97 = arith.constant 3 : i32
      %add3A_98 = arith.addi %add3A_78, %add3A_97 : i32
      %lt3A = arith.constant 160 : i32
      %lt3A_99 = arith.cmpi slt, %add3A_98, %lt3A : i32
      %convert_element_type3A = arith.extui %lt3A_99 : i1 to i32
      %cond3A = arith.constant 0 : i32
      %cond3A_100 = arith.cmpi ne, %convert_element_type3A, %cond3A : i32
      scf.if %cond3A_100 {
        %ge3A = arith.constant 4 : i32
        %ge3A_188 = arith.cmpi sge, %add3A_98, %ge3A : i32
        %convert_element_type3A_189 = arith.extui %ge3A_188 : i1 to i32
        %cond3A_190 = arith.constant 0 : i32
        %cond3A_191 = arith.cmpi ne, %convert_element_type3A_189, %cond3A_190 : i32
        scf.if %cond3A_191 {
          %sub3A = arith.constant 4 : i32
          %sub3A_201 = arith.subi %add3A_98, %sub3A : i32
          %dma_wait3A_202 = arith.constant 384 : i32
          %dma_wait3A_203 = arith.constant 0 : i32
          %dma_wait3A_204 = tpu.memref_slice %arg9[%dma_wait3A_202, %dma_wait3A_203] : memref<640x64xf32, #tpu.memory_space<vmem>> -> memref<125x64xf32, #tpu.memory_space<vmem>>
          %dma_wait3A_205 = arith.constant 0 : i32
          %dma_wait3A_206 = tpu.memref_slice %arg8[%sub3A_201, %dma_wait3A_205] : memref<160x125xi32, #tpu.memory_space<vmem>> -> memref<1x125xi32, #tpu.memory_space<vmem>>
          %dma_wait3A_207 = tpu.memref_squeeze %dma_wait3A_206 : memref<1x125xi32, #tpu.memory_space<vmem>> -> memref<125xi32, #tpu.memory_space<vmem>>
          %dma_wait3A_208 = arith.constant 0 : i32
          %dma_wait3A_209 = arith.constant 0 : i32
          %dma_wait3A_210 = tpu.memref_slice %arg10[%dma_wait3A_208, %dma_wait3A_209] : memref<10240x64xf32, #tpu.memory_space<vmem_shared>> -> memref<10240x64xf32, #tpu.memory_space<vmem_shared>>
          tpu.wait_indirect_dma semaphore(%arg14 : memref<!tpu.dma_semaphore, #tpu.memory_space<semaphore_mem>>) src(%dma_wait3A_204 : memref<125x64xf32, #tpu.memory_space<vmem>>) dst(%dma_wait3A_210 : memref<10240x64xf32, #tpu.memory_space<vmem_shared>>)
        } else {
        }
        %dma_start3A_192 = arith.constant 384 : i32
        %dma_start3A_193 = arith.constant 0 : i32
        %dma_start3A_194 = tpu.memref_slice %arg9[%dma_start3A_192, %dma_start3A_193] : memref<640x64xf32, #tpu.memory_space<vmem>> -> memref<125x64xf32, #tpu.memory_space<vmem>>
        %dma_start3A_195 = arith.constant 0 : i32
        %dma_start3A_196 = tpu.memref_slice %arg7[%add3A_98, %dma_start3A_195] : memref<160x125xi32, #tpu.memory_space<vmem>> -> memref<1x125xi32, #tpu.memory_space<vmem>>
        %dma_start3A_197 = tpu.memref_squeeze %dma_start3A_196 : memref<1x125xi32, #tpu.memory_space<vmem>> -> memref<125xi32, #tpu.memory_space<vmem>>
        %dma_start3A_198 = arith.constant 0 : i32
        %dma_start3A_199 = arith.constant 0 : i32
        %dma_start3A_200 = tpu.memref_slice %arg2[%dma_start3A_198, %dma_start3A_199] : memref<20000x64xf32, #tpu.memory_space<hbm>> -> memref<20000x64xf32, #tpu.memory_space<hbm>>
        tpu.enqueue_indirect_dma source(%dma_start3A_200 : memref<20000x64xf32, #tpu.memory_space<hbm>>) target(%dma_start3A_194 : memref<125x64xf32, #tpu.memory_space<vmem>>) offsets(%dma_start3A_197 : memref<125xi32, #tpu.memory_space<vmem>>) semaphore(%arg14 : memref<!tpu.dma_semaphore, #tpu.memory_space<semaphore_mem>>)
      } else {
      }
      %mul3A_101 = arith.constant 4 : i32
      %mul3A_102 = arith.muli %mul3A_101, %scan3A_75 : i32
      %add3A_103 = arith.constant 1 : i32
      %add3A_104 = arith.addi %mul3A_102, %add3A_103 : i32
      %dma_wait3A_105 = arith.constant 128 : i32
      %dma_wait3A_106 = arith.constant 0 : i32
      %dma_wait3A_107 = tpu.memref_slice %arg9[%dma_wait3A_105, %dma_wait3A_106] : memref<640x64xf32, #tpu.memory_space<vmem>> -> memref<125x64xf32, #tpu.memory_space<vmem>>
      %dma_wait3A_108 = arith.constant 0 : i32
      %dma_wait3A_109 = tpu.memref_slice %arg7[%add3A_104, %dma_wait3A_108] : memref<160x125xi32, #tpu.memory_space<vmem>> -> memref<1x125xi32, #tpu.memory_space<vmem>>
      %dma_wait3A_110 = tpu.memref_squeeze %dma_wait3A_109 : memref<1x125xi32, #tpu.memory_space<vmem>> -> memref<125xi32, #tpu.memory_space<vmem>>
      %dma_wait3A_111 = arith.constant 0 : i32
      %dma_wait3A_112 = arith.constant 0 : i32
      %dma_wait3A_113 = tpu.memref_slice %arg2[%dma_wait3A_111, %dma_wait3A_112] : memref<20000x64xf32, #tpu.memory_space<hbm>> -> memref<20000x64xf32, #tpu.memory_space<hbm>>
      tpu.wait_indirect_dma semaphore(%arg12 : memref<!tpu.dma_semaphore, #tpu.memory_space<semaphore_mem>>) src(%dma_wait3A_113 : memref<20000x64xf32, #tpu.memory_space<hbm>>) dst(%dma_wait3A_107 : memref<125x64xf32, #tpu.memory_space<vmem>>)
      %dma_start3A_114 = arith.constant 128 : i32
      %dma_start3A_115 = arith.constant 0 : i32
      %dma_start3A_116 = tpu.memref_slice %arg9[%dma_start3A_114, %dma_start3A_115] : memref<640x64xf32, #tpu.memory_space<vmem>> -> memref<125x64xf32, #tpu.memory_space<vmem>>
      %dma_start3A_117 = arith.constant 0 : i32
      %dma_start3A_118 = tpu.memref_slice %arg8[%add3A_104, %dma_start3A_117] : memref<160x125xi32, #tpu.memory_space<vmem>> -> memref<1x125xi32, #tpu.memory_space<vmem>>
      %dma_start3A_119 = tpu.memref_squeeze %dma_start3A_118 : memref<1x125xi32, #tpu.memory_space<vmem>> -> memref<125xi32, #tpu.memory_space<vmem>>
      %dma_start3A_120 = arith.constant 0 : i32
      %dma_start3A_121 = arith.constant 0 : i32
      %dma_start3A_122 = tpu.memref_slice %arg10[%dma_start3A_120, %dma_start3A_121] : memref<10240x64xf32, #tpu.memory_space<vmem_shared>> -> memref<10240x64xf32, #tpu.memory_space<vmem_shared>>
      tpu.enqueue_indirect_dma source(%dma_start3A_116 : memref<125x64xf32, #tpu.memory_space<vmem>>) target(%dma_start3A_122 : memref<10240x64xf32, #tpu.memory_space<vmem_shared>>) offsets(%dma_start3A_119 : memref<125xi32, #tpu.memory_space<vmem>>) semaphore(%arg12 : memref<!tpu.dma_semaphore, #tpu.memory_space<semaphore_mem>>) {add = true}
      %add3A_123 = arith.constant 3 : i32
      %add3A_124 = arith.addi %add3A_104, %add3A_123 : i32
      %lt3A_125 = arith.constant 160 : i32
      %lt3A_126 = arith.cmpi slt, %add3A_124, %lt3A_125 : i32
      %convert_element_type3A_127 = arith.extui %lt3A_126 : i1 to i32
      %cond3A_128 = arith.constant 0 : i32
      %cond3A_129 = arith.cmpi ne, %convert_element_type3A_127, %cond3A_128 : i32
      scf.if %cond3A_129 {
        %ge3A = arith.constant 4 : i32
        %ge3A_188 = arith.cmpi sge, %add3A_124, %ge3A : i32
        %convert_element_type3A_189 = arith.extui %ge3A_188 : i1 to i32
        %cond3A_190 = arith.constant 0 : i32
        %cond3A_191 = arith.cmpi ne, %convert_element_type3A_189, %cond3A_190 : i32
        scf.if %cond3A_191 {
          %sub3A = arith.constant 4 : i32
          %sub3A_201 = arith.subi %add3A_124, %sub3A : i32
          %dma_wait3A_202 = arith.constant 0 : i32
          %dma_wait3A_203 = arith.constant 0 : i32
          %dma_wait3A_204 = tpu.memref_slice %arg9[%dma_wait3A_202, %dma_wait3A_203] : memref<640x64xf32, #tpu.memory_space<vmem>> -> memref<125x64xf32, #tpu.memory_space<vmem>>
          %dma_wait3A_205 = arith.constant 0 : i32
          %dma_wait3A_206 = tpu.memref_slice %arg8[%sub3A_201, %dma_wait3A_205] : memref<160x125xi32, #tpu.memory_space<vmem>> -> memref<1x125xi32, #tpu.memory_space<vmem>>
          %dma_wait3A_207 = tpu.memref_squeeze %dma_wait3A_206 : memref<1x125xi32, #tpu.memory_space<vmem>> -> memref<125xi32, #tpu.memory_space<vmem>>
          %dma_wait3A_208 = arith.constant 0 : i32
          %dma_wait3A_209 = arith.constant 0 : i32
          %dma_wait3A_210 = tpu.memref_slice %arg10[%dma_wait3A_208, %dma_wait3A_209] : memref<10240x64xf32, #tpu.memory_space<vmem_shared>> -> memref<10240x64xf32, #tpu.memory_space<vmem_shared>>
          tpu.wait_indirect_dma semaphore(%arg11 : memref<!tpu.dma_semaphore, #tpu.memory_space<semaphore_mem>>) src(%dma_wait3A_204 : memref<125x64xf32, #tpu.memory_space<vmem>>) dst(%dma_wait3A_210 : memref<10240x64xf32, #tpu.memory_space<vmem_shared>>)
        } else {
        }
        %dma_start3A_192 = arith.constant 0 : i32
        %dma_start3A_193 = arith.constant 0 : i32
        %dma_start3A_194 = tpu.memref_slice %arg9[%dma_start3A_192, %dma_start3A_193] : memref<640x64xf32, #tpu.memory_space<vmem>> -> memref<125x64xf32, #tpu.memory_space<vmem>>
        %dma_start3A_195 = arith.constant 0 : i32
        %dma_start3A_196 = tpu.memref_slice %arg7[%add3A_124, %dma_start3A_195] : memref<160x125xi32, #tpu.memory_space<vmem>> -> memref<1x125xi32, #tpu.memory_space<vmem>>
        %dma_start3A_197 = tpu.memref_squeeze %dma_start3A_196 : memref<1x125xi32, #tpu.memory_space<vmem>> -> memref<125xi32, #tpu.memory_space<vmem>>
        %dma_start3A_198 = arith.constant 0 : i32
        %dma_start3A_199 = arith.constant 0 : i32
        %dma_start3A_200 = tpu.memref_slice %arg2[%dma_start3A_198, %dma_start3A_199] : memref<20000x64xf32, #tpu.memory_space<hbm>> -> memref<20000x64xf32, #tpu.memory_space<hbm>>
        tpu.enqueue_indirect_dma source(%dma_start3A_200 : memref<20000x64xf32, #tpu.memory_space<hbm>>) target(%dma_start3A_194 : memref<125x64xf32, #tpu.memory_space<vmem>>) offsets(%dma_start3A_197 : memref<125xi32, #tpu.memory_space<vmem>>) semaphore(%arg11 : memref<!tpu.dma_semaphore, #tpu.memory_space<semaphore_mem>>)
      } else {
      }
      %mul3A_130 = arith.constant 4 : i32
      %mul3A_131 = arith.muli %mul3A_130, %scan3A_75 : i32
      %add3A_132 = arith.constant 2 : i32
      %add3A_133 = arith.addi %mul3A_131, %add3A_132 : i32
      %dma_wait3A_134 = arith.constant 256 : i32
      %dma_wait3A_135 = arith.constant 0 : i32
      %dma_wait3A_136 = tpu.memref_slice %arg9[%dma_wait3A_134, %dma_wait3A_135] : memref<640x64xf32, #tpu.memory_space<vmem>> -> memref<125x64xf32, #tpu.memory_space<vmem>>
      %dma_wait3A_137 = arith.constant 0 : i32
      %dma_wait3A_138 = tpu.memref_slice %arg7[%add3A_133, %dma_wait3A_137] : memref<160x125xi32, #tpu.memory_space<vmem>> -> memref<1x125xi32, #tpu.memory_space<vmem>>
      %dma_wait3A_139 = tpu.memref_squeeze %dma_wait3A_138 : memref<1x125xi32, #tpu.memory_space<vmem>> -> memref<125xi32, #tpu.memory_space<vmem>>
      %dma_wait3A_140 = arith.constant 0 : i32
      %dma_wait3A_141 = arith.constant 0 : i32
      %dma_wait3A_142 = tpu.memref_slice %arg2[%dma_wait3A_140, %dma_wait3A_141] : memref<20000x64xf32, #tpu.memory_space<hbm>> -> memref<20000x64xf32, #tpu.memory_space<hbm>>
      tpu.wait_indirect_dma semaphore(%arg13 : memref<!tpu.dma_semaphore, #tpu.memory_space<semaphore_mem>>) src(%dma_wait3A_142 : memref<20000x64xf32, #tpu.memory_space<hbm>>) dst(%dma_wait3A_136 : memref<125x64xf32, #tpu.memory_space<vmem>>)
      %dma_start3A_143 = arith.constant 256 : i32
      %dma_start3A_144 = arith.constant 0 : i32
      %dma_start3A_145 = tpu.memref_slice %arg9[%dma_start3A_143, %dma_start3A_144] : memref<640x64xf32, #tpu.memory_space<vmem>> -> memref<125x64xf32, #tpu.memory_space<vmem>>
      %dma_start3A_146 = arith.constant 0 : i32
      %dma_start3A_147 = tpu.memref_slice %arg8[%add3A_133, %dma_start3A_146] : memref<160x125xi32, #tpu.memory_space<vmem>> -> memref<1x125xi32, #tpu.memory_space<vmem>>
      %dma_start3A_148 = tpu.memref_squeeze %dma_start3A_147 : memref<1x125xi32, #tpu.memory_space<vmem>> -> memref<125xi32, #tpu.memory_space<vmem>>
      %dma_start3A_149 = arith.constant 0 : i32
      %dma_start3A_150 = arith.constant 0 : i32
      %dma_start3A_151 = tpu.memref_slice %arg10[%dma_start3A_149, %dma_start3A_150] : memref<10240x64xf32, #tpu.memory_space<vmem_shared>> -> memref<10240x64xf32, #tpu.memory_space<vmem_shared>>
      tpu.enqueue_indirect_dma source(%dma_start3A_145 : memref<125x64xf32, #tpu.memory_space<vmem>>) target(%dma_start3A_151 : memref<10240x64xf32, #tpu.memory_space<vmem_shared>>) offsets(%dma_start3A_148 : memref<125xi32, #tpu.memory_space<vmem>>) semaphore(%arg13 : memref<!tpu.dma_semaphore, #tpu.memory_space<semaphore_mem>>) {add = true}
      %add3A_152 = arith.constant 3 : i32
      %add3A_153 = arith.addi %add3A_133, %add3A_152 : i32
      %lt3A_154 = arith.constant 160 : i32
      %lt3A_155 = arith.cmpi slt, %add3A_153, %lt3A_154 : i32
      %convert_element_type3A_156 = arith.extui %lt3A_155 : i1 to i32
      %cond3A_157 = arith.constant 0 : i32
      %cond3A_158 = arith.cmpi ne, %convert_element_type3A_156, %cond3A_157 : i32
      scf.if %cond3A_158 {
        %ge3A = arith.constant 4 : i32
        %ge3A_188 = arith.cmpi sge, %add3A_153, %ge3A : i32
        %convert_element_type3A_189 = arith.extui %ge3A_188 : i1 to i32
        %cond3A_190 = arith.constant 0 : i32
        %cond3A_191 = arith.cmpi ne, %convert_element_type3A_189, %cond3A_190 : i32
        scf.if %cond3A_191 {
          %sub3A = arith.constant 4 : i32
          %sub3A_201 = arith.subi %add3A_153, %sub3A : i32
          %dma_wait3A_202 = arith.constant 128 : i32
          %dma_wait3A_203 = arith.constant 0 : i32
          %dma_wait3A_204 = tpu.memref_slice %arg9[%dma_wait3A_202, %dma_wait3A_203] : memref<640x64xf32, #tpu.memory_space<vmem>> -> memref<125x64xf32, #tpu.memory_space<vmem>>
          %dma_wait3A_205 = arith.constant 0 : i32
          %dma_wait3A_206 = tpu.memref_slice %arg8[%sub3A_201, %dma_wait3A_205] : memref<160x125xi32, #tpu.memory_space<vmem>> -> memref<1x125xi32, #tpu.memory_space<vmem>>
          %dma_wait3A_207 = tpu.memref_squeeze %dma_wait3A_206 : memref<1x125xi32, #tpu.memory_space<vmem>> -> memref<125xi32, #tpu.memory_space<vmem>>
          %dma_wait3A_208 = arith.constant 0 : i32
          %dma_wait3A_209 = arith.constant 0 : i32
          %dma_wait3A_210 = tpu.memref_slice %arg10[%dma_wait3A_208, %dma_wait3A_209] : memref<10240x64xf32, #tpu.memory_space<vmem_shared>> -> memref<10240x64xf32, #tpu.memory_space<vmem_shared>>
          tpu.wait_indirect_dma semaphore(%arg12 : memref<!tpu.dma_semaphore, #tpu.memory_space<semaphore_mem>>) src(%dma_wait3A_204 : memref<125x64xf32, #tpu.memory_space<vmem>>) dst(%dma_wait3A_210 : memref<10240x64xf32, #tpu.memory_space<vmem_shared>>)
        } else {
        }
        %dma_start3A_192 = arith.constant 128 : i32
        %dma_start3A_193 = arith.constant 0 : i32
        %dma_start3A_194 = tpu.memref_slice %arg9[%dma_start3A_192, %dma_start3A_193] : memref<640x64xf32, #tpu.memory_space<vmem>> -> memref<125x64xf32, #tpu.memory_space<vmem>>
        %dma_start3A_195 = arith.constant 0 : i32
        %dma_start3A_196 = tpu.memref_slice %arg7[%add3A_153, %dma_start3A_195] : memref<160x125xi32, #tpu.memory_space<vmem>> -> memref<1x125xi32, #tpu.memory_space<vmem>>
        %dma_start3A_197 = tpu.memref_squeeze %dma_start3A_196 : memref<1x125xi32, #tpu.memory_space<vmem>> -> memref<125xi32, #tpu.memory_space<vmem>>
        %dma_start3A_198 = arith.constant 0 : i32
        %dma_start3A_199 = arith.constant 0 : i32
        %dma_start3A_200 = tpu.memref_slice %arg2[%dma_start3A_198, %dma_start3A_199] : memref<20000x64xf32, #tpu.memory_space<hbm>> -> memref<20000x64xf32, #tpu.memory_space<hbm>>
        tpu.enqueue_indirect_dma source(%dma_start3A_200 : memref<20000x64xf32, #tpu.memory_space<hbm>>) target(%dma_start3A_194 : memref<125x64xf32, #tpu.memory_space<vmem>>) offsets(%dma_start3A_197 : memref<125xi32, #tpu.memory_space<vmem>>) semaphore(%arg12 : memref<!tpu.dma_semaphore, #tpu.memory_space<semaphore_mem>>)
      } else {
      }
      %mul3A_159 = arith.constant 4 : i32
      %mul3A_160 = arith.muli %mul3A_159, %scan3A_75 : i32
      %add3A_161 = arith.constant 3 : i32
      %add3A_162 = arith.addi %mul3A_160, %add3A_161 : i32
      %dma_wait3A_163 = arith.constant 384 : i32
      %dma_wait3A_164 = arith.constant 0 : i32
      %dma_wait3A_165 = tpu.memref_slice %arg9[%dma_wait3A_163, %dma_wait3A_164] : memref<640x64xf32, #tpu.memory_space<vmem>> -> memref<125x64xf32, #tpu.memory_space<vmem>>
      %dma_wait3A_166 = arith.constant 0 : i32
      %dma_wait3A_167 = tpu.memref_slice %arg7[%add3A_162, %dma_wait3A_166] : memref<160x125xi32, #tpu.memory_space<vmem>> -> memref<1x125xi32, #tpu.memory_space<vmem>>
      %dma_wait3A_168 = tpu.memref_squeeze %dma_wait3A_167 : memref<1x125xi32, #tpu.memory_space<vmem>> -> memref<125xi32, #tpu.memory_space<vmem>>
      %dma_wait3A_169 = arith.constant 0 : i32
      %dma_wait3A_170 = arith.constant 0 : i32
      %dma_wait3A_171 = tpu.memref_slice %arg2[%dma_wait3A_169, %dma_wait3A_170] : memref<20000x64xf32, #tpu.memory_space<hbm>> -> memref<20000x64xf32, #tpu.memory_space<hbm>>
      tpu.wait_indirect_dma semaphore(%arg14 : memref<!tpu.dma_semaphore, #tpu.memory_space<semaphore_mem>>) src(%dma_wait3A_171 : memref<20000x64xf32, #tpu.memory_space<hbm>>) dst(%dma_wait3A_165 : memref<125x64xf32, #tpu.memory_space<vmem>>)
      %dma_start3A_172 = arith.constant 384 : i32
      %dma_start3A_173 = arith.constant 0 : i32
      %dma_start3A_174 = tpu.memref_slice %arg9[%dma_start3A_172, %dma_start3A_173] : memref<640x64xf32, #tpu.memory_space<vmem>> -> memref<125x64xf32, #tpu.memory_space<vmem>>
      %dma_start3A_175 = arith.constant 0 : i32
      %dma_start3A_176 = tpu.memref_slice %arg8[%add3A_162, %dma_start3A_175] : memref<160x125xi32, #tpu.memory_space<vmem>> -> memref<1x125xi32, #tpu.memory_space<vmem>>
      %dma_start3A_177 = tpu.memref_squeeze %dma_start3A_176 : memref<1x125xi32, #tpu.memory_space<vmem>> -> memref<125xi32, #tpu.memory_space<vmem>>
      %dma_start3A_178 = arith.constant 0 : i32
      %dma_start3A_179 = arith.constant 0 : i32
      %dma_start3A_180 = tpu.memref_slice %arg10[%dma_start3A_178, %dma_start3A_179] : memref<10240x64xf32, #tpu.memory_space<vmem_shared>> -> memref<10240x64xf32, #tpu.memory_space<vmem_shared>>
      tpu.enqueue_indirect_dma source(%dma_start3A_174 : memref<125x64xf32, #tpu.memory_space<vmem>>) target(%dma_start3A_180 : memref<10240x64xf32, #tpu.memory_space<vmem_shared>>) offsets(%dma_start3A_177 : memref<125xi32, #tpu.memory_space<vmem>>) semaphore(%arg14 : memref<!tpu.dma_semaphore, #tpu.memory_space<semaphore_mem>>) {add = true}
      %add3A_181 = arith.constant 3 : i32
      %add3A_182 = arith.addi %add3A_162, %add3A_181 : i32
      %lt3A_183 = arith.constant 160 : i32
      %lt3A_184 = arith.cmpi slt, %add3A_182, %lt3A_183 : i32
      %convert_element_type3A_185 = arith.extui %lt3A_184 : i1 to i32
      %cond3A_186 = arith.constant 0 : i32
      %cond3A_187 = arith.cmpi ne, %convert_element_type3A_185, %cond3A_186 : i32
      scf.if %cond3A_187 {
        %ge3A = arith.constant 4 : i32
        %ge3A_188 = arith.cmpi sge, %add3A_182, %ge3A : i32
        %convert_element_type3A_189 = arith.extui %ge3A_188 : i1 to i32
        %cond3A_190 = arith.constant 0 : i32
        %cond3A_191 = arith.cmpi ne, %convert_element_type3A_189, %cond3A_190 : i32
        scf.if %cond3A_191 {
          %sub3A = arith.constant 4 : i32
          %sub3A_201 = arith.subi %add3A_182, %sub3A : i32
          %dma_wait3A_202 = arith.constant 256 : i32
          %dma_wait3A_203 = arith.constant 0 : i32
          %dma_wait3A_204 = tpu.memref_slice %arg9[%dma_wait3A_202, %dma_wait3A_203] : memref<640x64xf32, #tpu.memory_space<vmem>> -> memref<125x64xf32, #tpu.memory_space<vmem>>
          %dma_wait3A_205 = arith.constant 0 : i32
          %dma_wait3A_206 = tpu.memref_slice %arg8[%sub3A_201, %dma_wait3A_205] : memref<160x125xi32, #tpu.memory_space<vmem>> -> memref<1x125xi32, #tpu.memory_space<vmem>>
          %dma_wait3A_207 = tpu.memref_squeeze %dma_wait3A_206 : memref<1x125xi32, #tpu.memory_space<vmem>> -> memref<125xi32, #tpu.memory_space<vmem>>
          %dma_wait3A_208 = arith.constant 0 : i32
          %dma_wait3A_209 = arith.constant 0 : i32
          %dma_wait3A_210 = tpu.memref_slice %arg10[%dma_wait3A_208, %dma_wait3A_209] : memref<10240x64xf32, #tpu.memory_space<vmem_shared>> -> memref<10240x64xf32, #tpu.memory_space<vmem_shared>>
          tpu.wait_indirect_dma semaphore(%arg13 : memref<!tpu.dma_semaphore, #tpu.memory_space<semaphore_mem>>) src(%dma_wait3A_204 : memref<125x64xf32, #tpu.memory_space<vmem>>) dst(%dma_wait3A_210 : memref<10240x64xf32, #tpu.memory_space<vmem_shared>>)
        } else {
        }
        %dma_start3A_192 = arith.constant 256 : i32
        %dma_start3A_193 = arith.constant 0 : i32
        %dma_start3A_194 = tpu.memref_slice %arg9[%dma_start3A_192, %dma_start3A_193] : memref<640x64xf32, #tpu.memory_space<vmem>> -> memref<125x64xf32, #tpu.memory_space<vmem>>
        %dma_start3A_195 = arith.constant 0 : i32
        %dma_start3A_196 = tpu.memref_slice %arg7[%add3A_182, %dma_start3A_195] : memref<160x125xi32, #tpu.memory_space<vmem>> -> memref<1x125xi32, #tpu.memory_space<vmem>>
        %dma_start3A_197 = tpu.memref_squeeze %dma_start3A_196 : memref<1x125xi32, #tpu.memory_space<vmem>> -> memref<125xi32, #tpu.memory_space<vmem>>
        %dma_start3A_198 = arith.constant 0 : i32
        %dma_start3A_199 = arith.constant 0 : i32
        %dma_start3A_200 = tpu.memref_slice %arg2[%dma_start3A_198, %dma_start3A_199] : memref<20000x64xf32, #tpu.memory_space<hbm>> -> memref<20000x64xf32, #tpu.memory_space<hbm>>
        tpu.enqueue_indirect_dma source(%dma_start3A_200 : memref<20000x64xf32, #tpu.memory_space<hbm>>) target(%dma_start3A_194 : memref<125x64xf32, #tpu.memory_space<vmem>>) offsets(%dma_start3A_197 : memref<125xi32, #tpu.memory_space<vmem>>) semaphore(%arg13 : memref<!tpu.dma_semaphore, #tpu.memory_space<semaphore_mem>>)
      } else {
      }
    }
    %scan3A_34 = arith.constant 40 : i32
    %dma_wait3A = arith.constant 156 : i32
    %dma_wait3A_35 = arith.constant 0 : i32
    %dma_wait3A_36 = arith.constant 0 : i32
    %dma_wait3A_37 = tpu.memref_slice %arg9[%dma_wait3A_35, %dma_wait3A_36] : memref<640x64xf32, #tpu.memory_space<vmem>> -> memref<125x64xf32, #tpu.memory_space<vmem>>
    %dma_wait3A_38 = arith.constant 0 : i32
    %dma_wait3A_39 = tpu.memref_slice %arg8[%dma_wait3A, %dma_wait3A_38] : memref<160x125xi32, #tpu.memory_space<vmem>> -> memref<1x125xi32, #tpu.memory_space<vmem>>
    %dma_wait3A_40 = tpu.memref_squeeze %dma_wait3A_39 : memref<1x125xi32, #tpu.memory_space<vmem>> -> memref<125xi32, #tpu.memory_space<vmem>>
    %dma_wait3A_41 = arith.constant 0 : i32
    %dma_wait3A_42 = arith.constant 0 : i32
    %dma_wait3A_43 = tpu.memref_slice %arg10[%dma_wait3A_41, %dma_wait3A_42] : memref<10240x64xf32, #tpu.memory_space<vmem_shared>> -> memref<10240x64xf32, #tpu.memory_space<vmem_shared>>
    tpu.wait_indirect_dma semaphore(%arg11 : memref<!tpu.dma_semaphore, #tpu.memory_space<semaphore_mem>>) src(%dma_wait3A_37 : memref<125x64xf32, #tpu.memory_space<vmem>>) dst(%dma_wait3A_43 : memref<10240x64xf32, #tpu.memory_space<vmem_shared>>)
    %dma_wait3A_44 = arith.constant 157 : i32
    %dma_wait3A_45 = arith.constant 128 : i32
    %dma_wait3A_46 = arith.constant 0 : i32
    %dma_wait3A_47 = tpu.memref_slice %arg9[%dma_wait3A_45, %dma_wait3A_46] : memref<640x64xf32, #tpu.memory_space<vmem>> -> memref<125x64xf32, #tpu.memory_space<vmem>>
    %dma_wait3A_48 = arith.constant 0 : i32
    %dma_wait3A_49 = tpu.memref_slice %arg8[%dma_wait3A_44, %dma_wait3A_48] : memref<160x125xi32, #tpu.memory_space<vmem>> -> memref<1x125xi32, #tpu.memory_space<vmem>>
    %dma_wait3A_50 = tpu.memref_squeeze %dma_wait3A_49 : memref<1x125xi32, #tpu.memory_space<vmem>> -> memref<125xi32, #tpu.memory_space<vmem>>
    %dma_wait3A_51 = arith.constant 0 : i32
    %dma_wait3A_52 = arith.constant 0 : i32
    %dma_wait3A_53 = tpu.memref_slice %arg10[%dma_wait3A_51, %dma_wait3A_52] : memref<10240x64xf32, #tpu.memory_space<vmem_shared>> -> memref<10240x64xf32, #tpu.memory_space<vmem_shared>>
    tpu.wait_indirect_dma semaphore(%arg12 : memref<!tpu.dma_semaphore, #tpu.memory_space<semaphore_mem>>) src(%dma_wait3A_47 : memref<125x64xf32, #tpu.memory_space<vmem>>) dst(%dma_wait3A_53 : memref<10240x64xf32, #tpu.memory_space<vmem_shared>>)
    %dma_wait3A_54 = arith.constant 158 : i32
    %dma_wait3A_55 = arith.constant 256 : i32
    %dma_wait3A_56 = arith.constant 0 : i32
    %dma_wait3A_57 = tpu.memref_slice %arg9[%dma_wait3A_55, %dma_wait3A_56] : memref<640x64xf32, #tpu.memory_space<vmem>> -> memref<125x64xf32, #tpu.memory_space<vmem>>
    %dma_wait3A_58 = arith.constant 0 : i32
    %dma_wait3A_59 = tpu.memref_slice %arg8[%dma_wait3A_54, %dma_wait3A_58] : memref<160x125xi32, #tpu.memory_space<vmem>> -> memref<1x125xi32, #tpu.memory_space<vmem>>
    %dma_wait3A_60 = tpu.memref_squeeze %dma_wait3A_59 : memref<1x125xi32, #tpu.memory_space<vmem>> -> memref<125xi32, #tpu.memory_space<vmem>>
    %dma_wait3A_61 = arith.constant 0 : i32
    %dma_wait3A_62 = arith.constant 0 : i32
    %dma_wait3A_63 = tpu.memref_slice %arg10[%dma_wait3A_61, %dma_wait3A_62] : memref<10240x64xf32, #tpu.memory_space<vmem_shared>> -> memref<10240x64xf32, #tpu.memory_space<vmem_shared>>
    tpu.wait_indirect_dma semaphore(%arg13 : memref<!tpu.dma_semaphore, #tpu.memory_space<semaphore_mem>>) src(%dma_wait3A_57 : memref<125x64xf32, #tpu.memory_space<vmem>>) dst(%dma_wait3A_63 : memref<10240x64xf32, #tpu.memory_space<vmem_shared>>)
    %dma_wait3A_64 = arith.constant 159 : i32
    %dma_wait3A_65 = arith.constant 384 : i32
    %dma_wait3A_66 = arith.constant 0 : i32
    %dma_wait3A_67 = tpu.memref_slice %arg9[%dma_wait3A_65, %dma_wait3A_66] : memref<640x64xf32, #tpu.memory_space<vmem>> -> memref<125x64xf32, #tpu.memory_space<vmem>>
    %dma_wait3A_68 = arith.constant 0 : i32
    %dma_wait3A_69 = tpu.memref_slice %arg8[%dma_wait3A_64, %dma_wait3A_68] : memref<160x125xi32, #tpu.memory_space<vmem>> -> memref<1x125xi32, #tpu.memory_space<vmem>>
    %dma_wait3A_70 = tpu.memref_squeeze %dma_wait3A_69 : memref<1x125xi32, #tpu.memory_space<vmem>> -> memref<125xi32, #tpu.memory_space<vmem>>
    %dma_wait3A_71 = arith.constant 0 : i32
    %dma_wait3A_72 = arith.constant 0 : i32
    %dma_wait3A_73 = tpu.memref_slice %arg10[%dma_wait3A_71, %dma_wait3A_72] : memref<10240x64xf32, #tpu.memory_space<vmem_shared>> -> memref<10240x64xf32, #tpu.memory_space<vmem_shared>>
    tpu.wait_indirect_dma semaphore(%arg14 : memref<!tpu.dma_semaphore, #tpu.memory_space<semaphore_mem>>) src(%dma_wait3A_67 : memref<125x64xf32, #tpu.memory_space<vmem>>) dst(%dma_wait3A_73 : memref<10240x64xf32, #tpu.memory_space<vmem_shared>>)
    %barrier3A_74 = arith.constant 0 : index
    tpu.barrier barrier_id(%barrier3A_74)
    "tpu.region"() ({
      %run_scoped3A = tpu.sem_alloc : memref<!tpu.dma_semaphore, #tpu.memory_space<semaphore_mem>>
      %dma_start3A_75 = arith.constant 0 : i32
      %dma_start3A_76 = tpu.memref_slice %arg6[%arg0, %mul3A_0, %dma_start3A_75] : memref<2x10240x64xf32, #tpu.memory_space<hbm>> -> memref<1x640x64xf32, #tpu.memory_space<hbm>>
      %dma_start3A_77 = tpu.memref_squeeze %dma_start3A_76 : memref<1x640x64xf32, #tpu.memory_space<hbm>> -> memref<640x64xf32, #tpu.memory_space<hbm>>
      %dma_start3A_78 = arith.constant 0 : i32
      %dma_start3A_79 = tpu.memref_slice %arg10[%mul3A_0, %dma_start3A_78] : memref<10240x64xf32, #tpu.memory_space<vmem_shared>> -> memref<640x64xf32, #tpu.memory_space<vmem_shared>>
      tpu.enqueue_dma source(%dma_start3A_79 : memref<640x64xf32, #tpu.memory_space<vmem_shared>>) target(%dma_start3A_77 : memref<640x64xf32, #tpu.memory_space<hbm>>) target_semaphore(%run_scoped3A : memref<!tpu.dma_semaphore, #tpu.memory_space<semaphore_mem>>)
      %dma_wait3A_80 = arith.constant 0 : i32
      %dma_wait3A_81 = tpu.memref_slice %arg6[%arg0, %mul3A_0, %dma_wait3A_80] : memref<2x10240x64xf32, #tpu.memory_space<hbm>> -> memref<1x640x64xf32, #tpu.memory_space<hbm>>
      %dma_wait3A_82 = tpu.memref_squeeze %dma_wait3A_81 : memref<1x640x64xf32, #tpu.memory_space<hbm>> -> memref<640x64xf32, #tpu.memory_space<hbm>>
      %dma_wait3A_83 = arith.constant 0 : i32
      %dma_wait3A_84 = tpu.memref_slice %arg10[%mul3A_0, %dma_wait3A_83] : memref<10240x64xf32, #tpu.memory_space<vmem_shared>> -> memref<640x64xf32, #tpu.memory_space<vmem_shared>>
      tpu.wait_dma2 semaphore(%run_scoped3A : memref<!tpu.dma_semaphore, #tpu.memory_space<semaphore_mem>>) src(%dma_wait3A_84 : memref<640x64xf32, #tpu.memory_space<vmem_shared>>) dst(%dma_wait3A_82 : memref<640x64xf32, #tpu.memory_space<hbm>>)
      tpu.yield
    }) : () -> ()
    return
  }
}

#map = affine_map<(d0, d1) -> (0, 0)>
#map1 = affine_map<(d0, d1) -> (0, 0, 0, 0)>
#map2 = affine_map<(d0, d1) -> (0, 0, 0)>
module attributes {stable_mosaic.version = 14 : i64} {
  func.func @_sc_body(%arg0: i32, %arg1: i32, %arg2: memref<20000x64xf32, #tpu.memory_space<hbm>>, %arg3: memref<2x16x160x125xi32, #tpu.memory_space<hbm>>, %arg4: memref<16x160x125xi32, #tpu.memory_space<hbm>>, %arg5: memref<640x64xf32, #tpu.memory_space<hbm>>, %arg6: memref<2x10240x64xf32, #tpu.memory_space<hbm>>, %arg7: memref<160x125xi32, #tpu.memory_space<vmem>>, %arg8: memref<160x125xi32, #tpu.memory_space<vmem>>, %arg9: memref<640x64xf32, #tpu.memory_space<vmem>>, %arg10: memref<10240x64xf32, #tpu.memory_space<vmem_shared>>, %arg11: memref<!tpu.dma_semaphore, #tpu.memory_space<semaphore_mem>>, %arg12: memref<!tpu.dma_semaphore, #tpu.memory_space<semaphore_mem>>, %arg13: memref<!tpu.dma_semaphore, #tpu.memory_space<semaphore_mem>>, %arg14: memref<!tpu.dma_semaphore, #tpu.memory_space<semaphore_mem>>) attributes {dimension_semantics = [#tpu.dimension_semantics<core_parallel>, #tpu.dimension_semantics<subcore_parallel>], iteration_bounds = array<i64: 2, 16>, scalar_prefetch = 0 : i64, scratch_operands = 8 : i64, tpu.core_type = #tpu.core_type<sc_vector_subcore>, window_params = [{transform_indices = #map}, {transform_indices = #map1}, {transform_indices = #map2}, {transform_indices = #map}, {transform_indices = #map2}]} {
    %mul3A = arith.constant 640 : i32
    %mul3A_0 = arith.muli %arg1, %mul3A : i32
    "tpu.region"() ({
      %run_scoped3A = tpu.sem_alloc : memref<!tpu.dma_semaphore, #tpu.memory_space<semaphore_mem>>
      %dma_start3A_75 = arith.constant 0 : i32
      %dma_start3A_76 = arith.constant 0 : i32
      %dma_start3A_77 = tpu.memref_slice %arg3[%arg0, %arg1, %dma_start3A_75, %dma_start3A_76] : memref<2x16x160x125xi32, #tpu.memory_space<hbm>> -> memref<1x1x160x125xi32, #tpu.memory_space<hbm>>
      %dma_start3A_78 = tpu.memref_squeeze %dma_start3A_77 : memref<1x1x160x125xi32, #tpu.memory_space<hbm>> -> memref<160x125xi32, #tpu.memory_space<hbm>>
      %dma_start3A_79 = arith.constant 0 : i32
      %dma_start3A_80 = arith.constant 0 : i32
      %dma_start3A_81 = tpu.memref_slice %arg3[%arg0, %arg1, %dma_start3A_79, %dma_start3A_80] : memref<2x16x160x125xi32, #tpu.memory_space<hbm>> -> memref<1x1x160x125xi32, #tpu.memory_space<hbm>>
      %dma_start3A_82 = tpu.memref_squeeze %dma_start3A_81 : memref<1x1x160x125xi32, #tpu.memory_space<hbm>> -> memref<160x125xi32, #tpu.memory_space<hbm>>
      tpu.enqueue_dma source(%dma_start3A_82 : memref<160x125xi32, #tpu.memory_space<hbm>>) target(%arg7 : memref<160x125xi32, #tpu.memory_space<vmem>>) target_semaphore(%run_scoped3A : memref<!tpu.dma_semaphore, #tpu.memory_space<semaphore_mem>>)
      %dma_wait3A_83 = arith.constant 0 : i32
      %dma_wait3A_84 = arith.constant 0 : i32
      %dma_wait3A_85 = tpu.memref_slice %arg3[%arg0, %arg1, %dma_wait3A_83, %dma_wait3A_84] : memref<2x16x160x125xi32, #tpu.memory_space<hbm>> -> memref<1x1x160x125xi32, #tpu.memory_space<hbm>>
      %dma_wait3A_86 = tpu.memref_squeeze %dma_wait3A_85 : memref<1x1x160x125xi32, #tpu.memory_space<hbm>> -> memref<160x125xi32, #tpu.memory_space<hbm>>
      %dma_wait3A_87 = arith.constant 0 : i32
      %dma_wait3A_88 = arith.constant 0 : i32
      %dma_wait3A_89 = tpu.memref_slice %arg3[%arg0, %arg1, %dma_wait3A_87, %dma_wait3A_88] : memref<2x16x160x125xi32, #tpu.memory_space<hbm>> -> memref<1x1x160x125xi32, #tpu.memory_space<hbm>>
      %dma_wait3A_90 = tpu.memref_squeeze %dma_wait3A_89 : memref<1x1x160x125xi32, #tpu.memory_space<hbm>> -> memref<160x125xi32, #tpu.memory_space<hbm>>
      tpu.wait_dma2 semaphore(%run_scoped3A : memref<!tpu.dma_semaphore, #tpu.memory_space<semaphore_mem>>) src(%dma_wait3A_90 : memref<160x125xi32, #tpu.memory_space<hbm>>) dst(%arg7 : memref<160x125xi32, #tpu.memory_space<vmem>>)
      tpu.yield
    }) : () -> ()
    "tpu.region"() ({
      %run_scoped3A = tpu.sem_alloc : memref<!tpu.dma_semaphore, #tpu.memory_space<semaphore_mem>>
      %dma_start3A_75 = arith.constant 0 : i32
      %dma_start3A_76 = arith.constant 0 : i32
      %dma_start3A_77 = tpu.memref_slice %arg4[%arg1, %dma_start3A_75, %dma_start3A_76] : memref<16x160x125xi32, #tpu.memory_space<hbm>> -> memref<1x160x125xi32, #tpu.memory_space<hbm>>
      %dma_start3A_78 = tpu.memref_squeeze %dma_start3A_77 : memref<1x160x125xi32, #tpu.memory_space<hbm>> -> memref<160x125xi32, #tpu.memory_space<hbm>>
      %dma_start3A_79 = arith.constant 0 : i32
      %dma_start3A_80 = arith.constant 0 : i32
      %dma_start3A_81 = tpu.memref_slice %arg4[%arg1, %dma_start3A_79, %dma_start3A_80] : memref<16x160x125xi32, #tpu.memory_space<hbm>> -> memref<1x160x125xi32, #tpu.memory_space<hbm>>
      %dma_start3A_82 = tpu.memref_squeeze %dma_start3A_81 : memref<1x160x125xi32, #tpu.memory_space<hbm>> -> memref<160x125xi32, #tpu.memory_space<hbm>>
      tpu.enqueue_dma source(%dma_start3A_82 : memref<160x125xi32, #tpu.memory_space<hbm>>) target(%arg8 : memref<160x125xi32, #tpu.memory_space<vmem>>) target_semaphore(%run_scoped3A : memref<!tpu.dma_semaphore, #tpu.memory_space<semaphore_mem>>)
      %dma_wait3A_83 = arith.constant 0 : i32
      %dma_wait3A_84 = arith.constant 0 : i32
      %dma_wait3A_85 = tpu.memref_slice %arg4[%arg1, %dma_wait3A_83, %dma_wait3A_84] : memref<16x160x125xi32, #tpu.memory_space<hbm>> -> memref<1x160x125xi32, #tpu.memory_space<hbm>>
      %dma_wait3A_86 = tpu.memref_squeeze %dma_wait3A_85 : memref<1x160x125xi32, #tpu.memory_space<hbm>> -> memref<160x125xi32, #tpu.memory_space<hbm>>
      %dma_wait3A_87 = arith.constant 0 : i32
      %dma_wait3A_88 = arith.constant 0 : i32
      %dma_wait3A_89 = tpu.memref_slice %arg4[%arg1, %dma_wait3A_87, %dma_wait3A_88] : memref<16x160x125xi32, #tpu.memory_space<hbm>> -> memref<1x160x125xi32, #tpu.memory_space<hbm>>
      %dma_wait3A_90 = tpu.memref_squeeze %dma_wait3A_89 : memref<1x160x125xi32, #tpu.memory_space<hbm>> -> memref<160x125xi32, #tpu.memory_space<hbm>>
      tpu.wait_dma2 semaphore(%run_scoped3A : memref<!tpu.dma_semaphore, #tpu.memory_space<semaphore_mem>>) src(%dma_wait3A_90 : memref<160x125xi32, #tpu.memory_space<hbm>>) dst(%arg8 : memref<160x125xi32, #tpu.memory_space<vmem>>)
      tpu.yield
    }) : () -> ()
    "tpu.region"() ({
      %run_scoped3A = tpu.sem_alloc : memref<!tpu.dma_semaphore, #tpu.memory_space<semaphore_mem>>
      %dma_start3A_75 = arith.constant 0 : i32
      %dma_start3A_76 = tpu.memref_slice %arg10[%mul3A_0, %dma_start3A_75] : memref<10240x64xf32, #tpu.memory_space<vmem_shared>> -> memref<640x64xf32, #tpu.memory_space<vmem_shared>>
      tpu.enqueue_dma source(%arg5 : memref<640x64xf32, #tpu.memory_space<hbm>>) target(%dma_start3A_76 : memref<640x64xf32, #tpu.memory_space<vmem_shared>>) target_semaphore(%run_scoped3A : memref<!tpu.dma_semaphore, #tpu.memory_space<semaphore_mem>>)
      %dma_wait3A_77 = arith.constant 0 : i32
      %dma_wait3A_78 = tpu.memref_slice %arg10[%mul3A_0, %dma_wait3A_77] : memref<10240x64xf32, #tpu.memory_space<vmem_shared>> -> memref<640x64xf32, #tpu.memory_space<vmem_shared>>
      tpu.wait_dma2 semaphore(%run_scoped3A : memref<!tpu.dma_semaphore, #tpu.memory_space<semaphore_mem>>) src(%arg5 : memref<640x64xf32, #tpu.memory_space<hbm>>) dst(%dma_wait3A_78 : memref<640x64xf32, #tpu.memory_space<vmem_shared>>)
      tpu.yield
    }) : () -> ()
    %barrier3A = arith.constant 0 : index
    tpu.barrier barrier_id(%barrier3A)
    %dma_start3A = arith.constant 0 : i32
    %dma_start3A_1 = arith.constant 0 : i32
    %dma_start3A_2 = arith.constant 0 : i32
    %dma_start3A_3 = tpu.memref_slice %arg9[%dma_start3A_1, %dma_start3A_2] : memref<640x64xf32, #tpu.memory_space<vmem>> -> memref<125x64xf32, #tpu.memory_space<vmem>>
    %dma_start3A_4 = arith.constant 0 : i32
    %dma_start3A_5 = tpu.memref_slice %arg7[%dma_start3A, %dma_start3A_4] : memref<160x125xi32, #tpu.memory_space<vmem>> -> memref<1x125xi32, #tpu.memory_space<vmem>>
    %dma_start3A_6 = tpu.memref_squeeze %dma_start3A_5 : memref<1x125xi32, #tpu.memory_space<vmem>> -> memref<125xi32, #tpu.memory_space<vmem>>
    %dma_start3A_7 = arith.constant 0 : i32
    %dma_start3A_8 = arith.constant 0 : i32
    %dma_start3A_9 = tpu.memref_slice %arg2[%dma_start3A_7, %dma_start3A_8] : memref<20000x64xf32, #tpu.memory_space<hbm>> -> memref<20000x64xf32, #tpu.memory_space<hbm>>
    tpu.enqueue_indirect_dma source(%dma_start3A_9 : memref<20000x64xf32, #tpu.memory_space<hbm>>) target(%dma_start3A_3 : memref<125x64xf32, #tpu.memory_space<vmem>>) offsets(%dma_start3A_6 : memref<125xi32, #tpu.memory_space<vmem>>) semaphore(%arg11 : memref<!tpu.dma_semaphore, #tpu.memory_space<semaphore_mem>>)
    %dma_start3A_10 = arith.constant 1 : i32
    %dma_start3A_11 = arith.constant 128 : i32
    %dma_start3A_12 = arith.constant 0 : i32
    %dma_start3A_13 = tpu.memref_slice %arg9[%dma_start3A_11, %dma_start3A_12] : memref<640x64xf32, #tpu.memory_space<vmem>> -> memref<125x64xf32, #tpu.memory_space<vmem>>
    %dma_start3A_14 = arith.constant 0 : i32
    %dma_start3A_15 = tpu.memref_slice %arg7[%dma_start3A_10, %dma_start3A_14] : memref<160x125xi32, #tpu.memory_space<vmem>> -> memref<1x125xi32, #tpu.memory_space<vmem>>
    %dma_start3A_16 = tpu.memref_squeeze %dma_start3A_15 : memref<1x125xi32, #tpu.memory_space<vmem>> -> memref<125xi32, #tpu.memory_space<vmem>>
    %dma_start3A_17 = arith.constant 0 : i32
    %dma_start3A_18 = arith.constant 0 : i32
    %dma_start3A_19 = tpu.memref_slice %arg2[%dma_start3A_17, %dma_start3A_18] : memref<20000x64xf32, #tpu.memory_space<hbm>> -> memref<20000x64xf32, #tpu.memory_space<hbm>>
    tpu.enqueue_indirect_dma source(%dma_start3A_19 : memref<20000x64xf32, #tpu.memory_space<hbm>>) target(%dma_start3A_13 : memref<125x64xf32, #tpu.memory_space<vmem>>) offsets(%dma_start3A_16 : memref<125xi32, #tpu.memory_space<vmem>>) semaphore(%arg12 : memref<!tpu.dma_semaphore, #tpu.memory_space<semaphore_mem>>)
    %dma_start3A_20 = arith.constant 2 : i32
    %dma_start3A_21 = arith.constant 256 : i32
    %dma_start3A_22 = arith.constant 0 : i32
    %dma_start3A_23 = tpu.memref_slice %arg9[%dma_start3A_21, %dma_start3A_22] : memref<640x64xf32, #tpu.memory_space<vmem>> -> memref<125x64xf32, #tpu.memory_space<vmem>>
    %dma_start3A_24 = arith.constant 0 : i32
    %dma_start3A_25 = tpu.memref_slice %arg7[%dma_start3A_20, %dma_start3A_24] : memref<160x125xi32, #tpu.memory_space<vmem>> -> memref<1x125xi32, #tpu.memory_space<vmem>>
    %dma_start3A_26 = tpu.memref_squeeze %dma_start3A_25 : memref<1x125xi32, #tpu.memory_space<vmem>> -> memref<125xi32, #tpu.memory_space<vmem>>
    %dma_start3A_27 = arith.constant 0 : i32
    %dma_start3A_28 = arith.constant 0 : i32
    %dma_start3A_29 = tpu.memref_slice %arg2[%dma_start3A_27, %dma_start3A_28] : memref<20000x64xf32, #tpu.memory_space<hbm>> -> memref<20000x64xf32, #tpu.memory_space<hbm>>
    tpu.enqueue_indirect_dma source(%dma_start3A_29 : memref<20000x64xf32, #tpu.memory_space<hbm>>) target(%dma_start3A_23 : memref<125x64xf32, #tpu.memory_space<vmem>>) offsets(%dma_start3A_26 : memref<125xi32, #tpu.memory_space<vmem>>) semaphore(%arg13 : memref<!tpu.dma_semaphore, #tpu.memory_space<semaphore_mem>>)
    %scan3A = arith.constant 0 : i32
    %scan3A_30 = arith.constant 0 : i32
    %scan3A_31 = arith.constant 40 : i32
    %scan3A_32 = arith.addi %scan3A_30, %scan3A_31 : i32
    %scan3A_33 = arith.constant 1 : i32
    scf.for %scan3A_75 = %scan3A_30 to %scan3A_32 step %scan3A_33  : i32 {
      %mul3A_76 = arith.constant 4 : i32
      %mul3A_77 = arith.muli %mul3A_76, %scan3A_75 : i32
      %add3A = arith.constant 0 : i32
      %add3A_78 = arith.addi %mul3A_77, %add3A : i32
      %dma_wait3A_79 = arith.constant 0 : i32
      %dma_wait3A_80 = arith.constant 0 : i32
      %dma_wait3A_81 = tpu.memref_slice %arg9[%dma_wait3A_79, %dma_wait3A_80] : memref<640x64xf32, #tpu.memory_space<vmem>> -> memref<125x64xf32, #tpu.memory_space<vmem>>
      %dma_wait3A_82 = arith.constant 0 : i32
      %dma_wait3A_83 = tpu.memref_slice %arg7[%add3A_78, %dma_wait3A_82] : memref<160x125xi32, #tpu.memory_space<vmem>> -> memref<1x125xi32, #tpu.memory_space<vmem>>
      %dma_wait3A_84 = tpu.memref_squeeze %dma_wait3A_83 : memref<1x125xi32, #tpu.memory_space<vmem>> -> memref<125xi32, #tpu.memory_space<vmem>>
      %dma_wait3A_85 = arith.constant 0 : i32
      %dma_wait3A_86 = arith.constant 0 : i32
      %dma_wait3A_87 = tpu.memref_slice %arg2[%dma_wait3A_85, %dma_wait3A_86] : memref<20000x64xf32, #tpu.memory_space<hbm>> -> memref<20000x64xf32, #tpu.memory_space<hbm>>
      tpu.wait_indirect_dma semaphore(%arg11 : memref<!tpu.dma_semaphore, #tpu.memory_space<semaphore_mem>>) src(%dma_wait3A_87 : memref<20000x64xf32, #tpu.memory_space<hbm>>) dst(%dma_wait3A_81 : memref<125x64xf32, #tpu.memory_space<vmem>>)
      %dma_start3A_88 = arith.constant 0 : i32
      %dma_start3A_89 = arith.constant 0 : i32
      %dma_start3A_90 = tpu.memref_slice %arg9[%dma_start3A_88, %dma_start3A_89] : memref<640x64xf32, #tpu.memory_space<vmem>> -> memref<125x64xf32, #tpu.memory_space<vmem>>
      %dma_start3A_91 = arith.constant 0 : i32
      %dma_start3A_92 = tpu.memref_slice %arg8[%add3A_78, %dma_start3A_91] : memref<160x125xi32, #tpu.memory_space<vmem>> -> memref<1x125xi32, #tpu.memory_space<vmem>>
      %dma_start3A_93 = tpu.memref_squeeze %dma_start3A_92 : memref<1x125xi32, #tpu.memory_space<vmem>> -> memref<125xi32, #tpu.memory_space<vmem>>
      %dma_start3A_94 = arith.constant 0 : i32
      %dma_start3A_95 = arith.constant 0 : i32
      %dma_start3A_96 = tpu.memref_slice %arg10[%dma_start3A_94, %dma_start3A_95] : memref<10240x64xf32, #tpu.memory_space<vmem_shared>> -> memref<10240x64xf32, #tpu.memory_space<vmem_shared>>
      tpu.enqueue_indirect_dma source(%dma_start3A_90 : memref<125x64xf32, #tpu.memory_space<vmem>>) target(%dma_start3A_96 : memref<10240x64xf32, #tpu.memory_space<vmem_shared>>) offsets(%dma_start3A_93 : memref<125xi32, #tpu.memory_space<vmem>>) semaphore(%arg11 : memref<!tpu.dma_semaphore, #tpu.memory_space<semaphore_mem>>) {add = true}
      %add3A_97 = arith.constant 3 : i32
      %add3A_98 = arith.addi %add3A_78, %add3A_97 : i32
      %lt3A = arith.constant 160 : i32
      %lt3A_99 = arith.cmpi slt, %add3A_98, %lt3A : i32
      %convert_element_type3A = arith.extui %lt3A_99 : i1 to i32
      %cond3A = arith.constant 0 : i32
      %cond3A_100 = arith.cmpi ne, %convert_element_type3A, %cond3A : i32
      scf.if %cond3A_100 {
        %ge3A = arith.constant 4 : i32
        %ge3A_188 = arith.cmpi sge, %add3A_98, %ge3A : i32
        %convert_element_type3A_189 = arith.extui %ge3A_188 : i1 to i32
        %cond3A_190 = arith.constant 0 : i32
        %cond3A_191 = arith.cmpi ne, %convert_element_type3A_189, %cond3A_190 : i32
        scf.if %cond3A_191 {
          %sub3A = arith.constant 4 : i32
          %sub3A_201 = arith.subi %add3A_98, %sub3A : i32
          %dma_wait3A_202 = arith.constant 384 : i32
          %dma_wait3A_203 = arith.constant 0 : i32
          %dma_wait3A_204 = tpu.memref_slice %arg9[%dma_wait3A_202, %dma_wait3A_203] : memref<640x64xf32, #tpu.memory_space<vmem>> -> memref<125x64xf32, #tpu.memory_space<vmem>>
          %dma_wait3A_205 = arith.constant 0 : i32
          %dma_wait3A_206 = tpu.memref_slice %arg8[%sub3A_201, %dma_wait3A_205] : memref<160x125xi32, #tpu.memory_space<vmem>> -> memref<1x125xi32, #tpu.memory_space<vmem>>
          %dma_wait3A_207 = tpu.memref_squeeze %dma_wait3A_206 : memref<1x125xi32, #tpu.memory_space<vmem>> -> memref<125xi32, #tpu.memory_space<vmem>>
          %dma_wait3A_208 = arith.constant 0 : i32
          %dma_wait3A_209 = arith.constant 0 : i32
          %dma_wait3A_210 = tpu.memref_slice %arg10[%dma_wait3A_208, %dma_wait3A_209] : memref<10240x64xf32, #tpu.memory_space<vmem_shared>> -> memref<10240x64xf32, #tpu.memory_space<vmem_shared>>
          tpu.wait_indirect_dma semaphore(%arg14 : memref<!tpu.dma_semaphore, #tpu.memory_space<semaphore_mem>>) src(%dma_wait3A_204 : memref<125x64xf32, #tpu.memory_space<vmem>>) dst(%dma_wait3A_210 : memref<10240x64xf32, #tpu.memory_space<vmem_shared>>)
        } else {
        }
        %dma_start3A_192 = arith.constant 384 : i32
        %dma_start3A_193 = arith.constant 0 : i32
        %dma_start3A_194 = tpu.memref_slice %arg9[%dma_start3A_192, %dma_start3A_193] : memref<640x64xf32, #tpu.memory_space<vmem>> -> memref<125x64xf32, #tpu.memory_space<vmem>>
        %dma_start3A_195 = arith.constant 0 : i32
        %dma_start3A_196 = tpu.memref_slice %arg7[%add3A_98, %dma_start3A_195] : memref<160x125xi32, #tpu.memory_space<vmem>> -> memref<1x125xi32, #tpu.memory_space<vmem>>
        %dma_start3A_197 = tpu.memref_squeeze %dma_start3A_196 : memref<1x125xi32, #tpu.memory_space<vmem>> -> memref<125xi32, #tpu.memory_space<vmem>>
        %dma_start3A_198 = arith.constant 0 : i32
        %dma_start3A_199 = arith.constant 0 : i32
        %dma_start3A_200 = tpu.memref_slice %arg2[%dma_start3A_198, %dma_start3A_199] : memref<20000x64xf32, #tpu.memory_space<hbm>> -> memref<20000x64xf32, #tpu.memory_space<hbm>>
        tpu.enqueue_indirect_dma source(%dma_start3A_200 : memref<20000x64xf32, #tpu.memory_space<hbm>>) target(%dma_start3A_194 : memref<125x64xf32, #tpu.memory_space<vmem>>) offsets(%dma_start3A_197 : memref<125xi32, #tpu.memory_space<vmem>>) semaphore(%arg14 : memref<!tpu.dma_semaphore, #tpu.memory_space<semaphore_mem>>)
      } else {
      }
      %mul3A_101 = arith.constant 4 : i32
      %mul3A_102 = arith.muli %mul3A_101, %scan3A_75 : i32
      %add3A_103 = arith.constant 1 : i32
      %add3A_104 = arith.addi %mul3A_102, %add3A_103 : i32
      %dma_wait3A_105 = arith.constant 128 : i32
      %dma_wait3A_106 = arith.constant 0 : i32
      %dma_wait3A_107 = tpu.memref_slice %arg9[%dma_wait3A_105, %dma_wait3A_106] : memref<640x64xf32, #tpu.memory_space<vmem>> -> memref<125x64xf32, #tpu.memory_space<vmem>>
      %dma_wait3A_108 = arith.constant 0 : i32
      %dma_wait3A_109 = tpu.memref_slice %arg7[%add3A_104, %dma_wait3A_108] : memref<160x125xi32, #tpu.memory_space<vmem>> -> memref<1x125xi32, #tpu.memory_space<vmem>>
      %dma_wait3A_110 = tpu.memref_squeeze %dma_wait3A_109 : memref<1x125xi32, #tpu.memory_space<vmem>> -> memref<125xi32, #tpu.memory_space<vmem>>
      %dma_wait3A_111 = arith.constant 0 : i32
      %dma_wait3A_112 = arith.constant 0 : i32
      %dma_wait3A_113 = tpu.memref_slice %arg2[%dma_wait3A_111, %dma_wait3A_112] : memref<20000x64xf32, #tpu.memory_space<hbm>> -> memref<20000x64xf32, #tpu.memory_space<hbm>>
      tpu.wait_indirect_dma semaphore(%arg12 : memref<!tpu.dma_semaphore, #tpu.memory_space<semaphore_mem>>) src(%dma_wait3A_113 : memref<20000x64xf32, #tpu.memory_space<hbm>>) dst(%dma_wait3A_107 : memref<125x64xf32, #tpu.memory_space<vmem>>)
      %dma_start3A_114 = arith.constant 128 : i32
      %dma_start3A_115 = arith.constant 0 : i32
      %dma_start3A_116 = tpu.memref_slice %arg9[%dma_start3A_114, %dma_start3A_115] : memref<640x64xf32, #tpu.memory_space<vmem>> -> memref<125x64xf32, #tpu.memory_space<vmem>>
      %dma_start3A_117 = arith.constant 0 : i32
      %dma_start3A_118 = tpu.memref_slice %arg8[%add3A_104, %dma_start3A_117] : memref<160x125xi32, #tpu.memory_space<vmem>> -> memref<1x125xi32, #tpu.memory_space<vmem>>
      %dma_start3A_119 = tpu.memref_squeeze %dma_start3A_118 : memref<1x125xi32, #tpu.memory_space<vmem>> -> memref<125xi32, #tpu.memory_space<vmem>>
      %dma_start3A_120 = arith.constant 0 : i32
      %dma_start3A_121 = arith.constant 0 : i32
      %dma_start3A_122 = tpu.memref_slice %arg10[%dma_start3A_120, %dma_start3A_121] : memref<10240x64xf32, #tpu.memory_space<vmem_shared>> -> memref<10240x64xf32, #tpu.memory_space<vmem_shared>>
      tpu.enqueue_indirect_dma source(%dma_start3A_116 : memref<125x64xf32, #tpu.memory_space<vmem>>) target(%dma_start3A_122 : memref<10240x64xf32, #tpu.memory_space<vmem_shared>>) offsets(%dma_start3A_119 : memref<125xi32, #tpu.memory_space<vmem>>) semaphore(%arg12 : memref<!tpu.dma_semaphore, #tpu.memory_space<semaphore_mem>>) {add = true}
      %add3A_123 = arith.constant 3 : i32
      %add3A_124 = arith.addi %add3A_104, %add3A_123 : i32
      %lt3A_125 = arith.constant 160 : i32
      %lt3A_126 = arith.cmpi slt, %add3A_124, %lt3A_125 : i32
      %convert_element_type3A_127 = arith.extui %lt3A_126 : i1 to i32
      %cond3A_128 = arith.constant 0 : i32
      %cond3A_129 = arith.cmpi ne, %convert_element_type3A_127, %cond3A_128 : i32
      scf.if %cond3A_129 {
        %ge3A = arith.constant 4 : i32
        %ge3A_188 = arith.cmpi sge, %add3A_124, %ge3A : i32
        %convert_element_type3A_189 = arith.extui %ge3A_188 : i1 to i32
        %cond3A_190 = arith.constant 0 : i32
        %cond3A_191 = arith.cmpi ne, %convert_element_type3A_189, %cond3A_190 : i32
        scf.if %cond3A_191 {
          %sub3A = arith.constant 4 : i32
          %sub3A_201 = arith.subi %add3A_124, %sub3A : i32
          %dma_wait3A_202 = arith.constant 0 : i32
          %dma_wait3A_203 = arith.constant 0 : i32
          %dma_wait3A_204 = tpu.memref_slice %arg9[%dma_wait3A_202, %dma_wait3A_203] : memref<640x64xf32, #tpu.memory_space<vmem>> -> memref<125x64xf32, #tpu.memory_space<vmem>>
          %dma_wait3A_205 = arith.constant 0 : i32
          %dma_wait3A_206 = tpu.memref_slice %arg8[%sub3A_201, %dma_wait3A_205] : memref<160x125xi32, #tpu.memory_space<vmem>> -> memref<1x125xi32, #tpu.memory_space<vmem>>
          %dma_wait3A_207 = tpu.memref_squeeze %dma_wait3A_206 : memref<1x125xi32, #tpu.memory_space<vmem>> -> memref<125xi32, #tpu.memory_space<vmem>>
          %dma_wait3A_208 = arith.constant 0 : i32
          %dma_wait3A_209 = arith.constant 0 : i32
          %dma_wait3A_210 = tpu.memref_slice %arg10[%dma_wait3A_208, %dma_wait3A_209] : memref<10240x64xf32, #tpu.memory_space<vmem_shared>> -> memref<10240x64xf32, #tpu.memory_space<vmem_shared>>
          tpu.wait_indirect_dma semaphore(%arg11 : memref<!tpu.dma_semaphore, #tpu.memory_space<semaphore_mem>>) src(%dma_wait3A_204 : memref<125x64xf32, #tpu.memory_space<vmem>>) dst(%dma_wait3A_210 : memref<10240x64xf32, #tpu.memory_space<vmem_shared>>)
        } else {
        }
        %dma_start3A_192 = arith.constant 0 : i32
        %dma_start3A_193 = arith.constant 0 : i32
        %dma_start3A_194 = tpu.memref_slice %arg9[%dma_start3A_192, %dma_start3A_193] : memref<640x64xf32, #tpu.memory_space<vmem>> -> memref<125x64xf32, #tpu.memory_space<vmem>>
        %dma_start3A_195 = arith.constant 0 : i32
        %dma_start3A_196 = tpu.memref_slice %arg7[%add3A_124, %dma_start3A_195] : memref<160x125xi32, #tpu.memory_space<vmem>> -> memref<1x125xi32, #tpu.memory_space<vmem>>
        %dma_start3A_197 = tpu.memref_squeeze %dma_start3A_196 : memref<1x125xi32, #tpu.memory_space<vmem>> -> memref<125xi32, #tpu.memory_space<vmem>>
        %dma_start3A_198 = arith.constant 0 : i32
        %dma_start3A_199 = arith.constant 0 : i32
        %dma_start3A_200 = tpu.memref_slice %arg2[%dma_start3A_198, %dma_start3A_199] : memref<20000x64xf32, #tpu.memory_space<hbm>> -> memref<20000x64xf32, #tpu.memory_space<hbm>>
        tpu.enqueue_indirect_dma source(%dma_start3A_200 : memref<20000x64xf32, #tpu.memory_space<hbm>>) target(%dma_start3A_194 : memref<125x64xf32, #tpu.memory_space<vmem>>) offsets(%dma_start3A_197 : memref<125xi32, #tpu.memory_space<vmem>>) semaphore(%arg11 : memref<!tpu.dma_semaphore, #tpu.memory_space<semaphore_mem>>)
      } else {
      }
      %mul3A_130 = arith.constant 4 : i32
      %mul3A_131 = arith.muli %mul3A_130, %scan3A_75 : i32
      %add3A_132 = arith.constant 2 : i32
      %add3A_133 = arith.addi %mul3A_131, %add3A_132 : i32
      %dma_wait3A_134 = arith.constant 256 : i32
      %dma_wait3A_135 = arith.constant 0 : i32
      %dma_wait3A_136 = tpu.memref_slice %arg9[%dma_wait3A_134, %dma_wait3A_135] : memref<640x64xf32, #tpu.memory_space<vmem>> -> memref<125x64xf32, #tpu.memory_space<vmem>>
      %dma_wait3A_137 = arith.constant 0 : i32
      %dma_wait3A_138 = tpu.memref_slice %arg7[%add3A_133, %dma_wait3A_137] : memref<160x125xi32, #tpu.memory_space<vmem>> -> memref<1x125xi32, #tpu.memory_space<vmem>>
      %dma_wait3A_139 = tpu.memref_squeeze %dma_wait3A_138 : memref<1x125xi32, #tpu.memory_space<vmem>> -> memref<125xi32, #tpu.memory_space<vmem>>
      %dma_wait3A_140 = arith.constant 0 : i32
      %dma_wait3A_141 = arith.constant 0 : i32
      %dma_wait3A_142 = tpu.memref_slice %arg2[%dma_wait3A_140, %dma_wait3A_141] : memref<20000x64xf32, #tpu.memory_space<hbm>> -> memref<20000x64xf32, #tpu.memory_space<hbm>>
      tpu.wait_indirect_dma semaphore(%arg13 : memref<!tpu.dma_semaphore, #tpu.memory_space<semaphore_mem>>) src(%dma_wait3A_142 : memref<20000x64xf32, #tpu.memory_space<hbm>>) dst(%dma_wait3A_136 : memref<125x64xf32, #tpu.memory_space<vmem>>)
      %dma_start3A_143 = arith.constant 256 : i32
      %dma_start3A_144 = arith.constant 0 : i32
      %dma_start3A_145 = tpu.memref_slice %arg9[%dma_start3A_143, %dma_start3A_144] : memref<640x64xf32, #tpu.memory_space<vmem>> -> memref<125x64xf32, #tpu.memory_space<vmem>>
      %dma_start3A_146 = arith.constant 0 : i32
      %dma_start3A_147 = tpu.memref_slice %arg8[%add3A_133, %dma_start3A_146] : memref<160x125xi32, #tpu.memory_space<vmem>> -> memref<1x125xi32, #tpu.memory_space<vmem>>
      %dma_start3A_148 = tpu.memref_squeeze %dma_start3A_147 : memref<1x125xi32, #tpu.memory_space<vmem>> -> memref<125xi32, #tpu.memory_space<vmem>>
      %dma_start3A_149 = arith.constant 0 : i32
      %dma_start3A_150 = arith.constant 0 : i32
      %dma_start3A_151 = tpu.memref_slice %arg10[%dma_start3A_149, %dma_start3A_150] : memref<10240x64xf32, #tpu.memory_space<vmem_shared>> -> memref<10240x64xf32, #tpu.memory_space<vmem_shared>>
      tpu.enqueue_indirect_dma source(%dma_start3A_145 : memref<125x64xf32, #tpu.memory_space<vmem>>) target(%dma_start3A_151 : memref<10240x64xf32, #tpu.memory_space<vmem_shared>>) offsets(%dma_start3A_148 : memref<125xi32, #tpu.memory_space<vmem>>) semaphore(%arg13 : memref<!tpu.dma_semaphore, #tpu.memory_space<semaphore_mem>>) {add = true}
      %add3A_152 = arith.constant 3 : i32
      %add3A_153 = arith.addi %add3A_133, %add3A_152 : i32
      %lt3A_154 = arith.constant 160 : i32
      %lt3A_155 = arith.cmpi slt, %add3A_153, %lt3A_154 : i32
      %convert_element_type3A_156 = arith.extui %lt3A_155 : i1 to i32
      %cond3A_157 = arith.constant 0 : i32
      %cond3A_158 = arith.cmpi ne, %convert_element_type3A_156, %cond3A_157 : i32
      scf.if %cond3A_158 {
        %ge3A = arith.constant 4 : i32
        %ge3A_188 = arith.cmpi sge, %add3A_153, %ge3A : i32
        %convert_element_type3A_189 = arith.extui %ge3A_188 : i1 to i32
        %cond3A_190 = arith.constant 0 : i32
        %cond3A_191 = arith.cmpi ne, %convert_element_type3A_189, %cond3A_190 : i32
        scf.if %cond3A_191 {
          %sub3A = arith.constant 4 : i32
          %sub3A_201 = arith.subi %add3A_153, %sub3A : i32
          %dma_wait3A_202 = arith.constant 128 : i32
          %dma_wait3A_203 = arith.constant 0 : i32
          %dma_wait3A_204 = tpu.memref_slice %arg9[%dma_wait3A_202, %dma_wait3A_203] : memref<640x64xf32, #tpu.memory_space<vmem>> -> memref<125x64xf32, #tpu.memory_space<vmem>>
          %dma_wait3A_205 = arith.constant 0 : i32
          %dma_wait3A_206 = tpu.memref_slice %arg8[%sub3A_201, %dma_wait3A_205] : memref<160x125xi32, #tpu.memory_space<vmem>> -> memref<1x125xi32, #tpu.memory_space<vmem>>
          %dma_wait3A_207 = tpu.memref_squeeze %dma_wait3A_206 : memref<1x125xi32, #tpu.memory_space<vmem>> -> memref<125xi32, #tpu.memory_space<vmem>>
          %dma_wait3A_208 = arith.constant 0 : i32
          %dma_wait3A_209 = arith.constant 0 : i32
          %dma_wait3A_210 = tpu.memref_slice %arg10[%dma_wait3A_208, %dma_wait3A_209] : memref<10240x64xf32, #tpu.memory_space<vmem_shared>> -> memref<10240x64xf32, #tpu.memory_space<vmem_shared>>
          tpu.wait_indirect_dma semaphore(%arg12 : memref<!tpu.dma_semaphore, #tpu.memory_space<semaphore_mem>>) src(%dma_wait3A_204 : memref<125x64xf32, #tpu.memory_space<vmem>>) dst(%dma_wait3A_210 : memref<10240x64xf32, #tpu.memory_space<vmem_shared>>)
        } else {
        }
        %dma_start3A_192 = arith.constant 128 : i32
        %dma_start3A_193 = arith.constant 0 : i32
        %dma_start3A_194 = tpu.memref_slice %arg9[%dma_start3A_192, %dma_start3A_193] : memref<640x64xf32, #tpu.memory_space<vmem>> -> memref<125x64xf32, #tpu.memory_space<vmem>>
        %dma_start3A_195 = arith.constant 0 : i32
        %dma_start3A_196 = tpu.memref_slice %arg7[%add3A_153, %dma_start3A_195] : memref<160x125xi32, #tpu.memory_space<vmem>> -> memref<1x125xi32, #tpu.memory_space<vmem>>
        %dma_start3A_197 = tpu.memref_squeeze %dma_start3A_196 : memref<1x125xi32, #tpu.memory_space<vmem>> -> memref<125xi32, #tpu.memory_space<vmem>>
        %dma_start3A_198 = arith.constant 0 : i32
        %dma_start3A_199 = arith.constant 0 : i32
        %dma_start3A_200 = tpu.memref_slice %arg2[%dma_start3A_198, %dma_start3A_199] : memref<20000x64xf32, #tpu.memory_space<hbm>> -> memref<20000x64xf32, #tpu.memory_space<hbm>>
        tpu.enqueue_indirect_dma source(%dma_start3A_200 : memref<20000x64xf32, #tpu.memory_space<hbm>>) target(%dma_start3A_194 : memref<125x64xf32, #tpu.memory_space<vmem>>) offsets(%dma_start3A_197 : memref<125xi32, #tpu.memory_space<vmem>>) semaphore(%arg12 : memref<!tpu.dma_semaphore, #tpu.memory_space<semaphore_mem>>)
      } else {
      }
      %mul3A_159 = arith.constant 4 : i32
      %mul3A_160 = arith.muli %mul3A_159, %scan3A_75 : i32
      %add3A_161 = arith.constant 3 : i32
      %add3A_162 = arith.addi %mul3A_160, %add3A_161 : i32
      %dma_wait3A_163 = arith.constant 384 : i32
      %dma_wait3A_164 = arith.constant 0 : i32
      %dma_wait3A_165 = tpu.memref_slice %arg9[%dma_wait3A_163, %dma_wait3A_164] : memref<640x64xf32, #tpu.memory_space<vmem>> -> memref<125x64xf32, #tpu.memory_space<vmem>>
      %dma_wait3A_166 = arith.constant 0 : i32
      %dma_wait3A_167 = tpu.memref_slice %arg7[%add3A_162, %dma_wait3A_166] : memref<160x125xi32, #tpu.memory_space<vmem>> -> memref<1x125xi32, #tpu.memory_space<vmem>>
      %dma_wait3A_168 = tpu.memref_squeeze %dma_wait3A_167 : memref<1x125xi32, #tpu.memory_space<vmem>> -> memref<125xi32, #tpu.memory_space<vmem>>
      %dma_wait3A_169 = arith.constant 0 : i32
      %dma_wait3A_170 = arith.constant 0 : i32
      %dma_wait3A_171 = tpu.memref_slice %arg2[%dma_wait3A_169, %dma_wait3A_170] : memref<20000x64xf32, #tpu.memory_space<hbm>> -> memref<20000x64xf32, #tpu.memory_space<hbm>>
      tpu.wait_indirect_dma semaphore(%arg14 : memref<!tpu.dma_semaphore, #tpu.memory_space<semaphore_mem>>) src(%dma_wait3A_171 : memref<20000x64xf32, #tpu.memory_space<hbm>>) dst(%dma_wait3A_165 : memref<125x64xf32, #tpu.memory_space<vmem>>)
      %dma_start3A_172 = arith.constant 384 : i32
      %dma_start3A_173 = arith.constant 0 : i32
      %dma_start3A_174 = tpu.memref_slice %arg9[%dma_start3A_172, %dma_start3A_173] : memref<640x64xf32, #tpu.memory_space<vmem>> -> memref<125x64xf32, #tpu.memory_space<vmem>>
      %dma_start3A_175 = arith.constant 0 : i32
      %dma_start3A_176 = tpu.memref_slice %arg8[%add3A_162, %dma_start3A_175] : memref<160x125xi32, #tpu.memory_space<vmem>> -> memref<1x125xi32, #tpu.memory_space<vmem>>
      %dma_start3A_177 = tpu.memref_squeeze %dma_start3A_176 : memref<1x125xi32, #tpu.memory_space<vmem>> -> memref<125xi32, #tpu.memory_space<vmem>>
      %dma_start3A_178 = arith.constant 0 : i32
      %dma_start3A_179 = arith.constant 0 : i32
      %dma_start3A_180 = tpu.memref_slice %arg10[%dma_start3A_178, %dma_start3A_179] : memref<10240x64xf32, #tpu.memory_space<vmem_shared>> -> memref<10240x64xf32, #tpu.memory_space<vmem_shared>>
      tpu.enqueue_indirect_dma source(%dma_start3A_174 : memref<125x64xf32, #tpu.memory_space<vmem>>) target(%dma_start3A_180 : memref<10240x64xf32, #tpu.memory_space<vmem_shared>>) offsets(%dma_start3A_177 : memref<125xi32, #tpu.memory_space<vmem>>) semaphore(%arg14 : memref<!tpu.dma_semaphore, #tpu.memory_space<semaphore_mem>>) {add = true}
      %add3A_181 = arith.constant 3 : i32
      %add3A_182 = arith.addi %add3A_162, %add3A_181 : i32
      %lt3A_183 = arith.constant 160 : i32
      %lt3A_184 = arith.cmpi slt, %add3A_182, %lt3A_183 : i32
      %convert_element_type3A_185 = arith.extui %lt3A_184 : i1 to i32
      %cond3A_186 = arith.constant 0 : i32
      %cond3A_187 = arith.cmpi ne, %convert_element_type3A_185, %cond3A_186 : i32
      scf.if %cond3A_187 {
        %ge3A = arith.constant 4 : i32
        %ge3A_188 = arith.cmpi sge, %add3A_182, %ge3A : i32
        %convert_element_type3A_189 = arith.extui %ge3A_188 : i1 to i32
        %cond3A_190 = arith.constant 0 : i32
        %cond3A_191 = arith.cmpi ne, %convert_element_type3A_189, %cond3A_190 : i32
        scf.if %cond3A_191 {
          %sub3A = arith.constant 4 : i32
          %sub3A_201 = arith.subi %add3A_182, %sub3A : i32
          %dma_wait3A_202 = arith.constant 256 : i32
          %dma_wait3A_203 = arith.constant 0 : i32
          %dma_wait3A_204 = tpu.memref_slice %arg9[%dma_wait3A_202, %dma_wait3A_203] : memref<640x64xf32, #tpu.memory_space<vmem>> -> memref<125x64xf32, #tpu.memory_space<vmem>>
          %dma_wait3A_205 = arith.constant 0 : i32
          %dma_wait3A_206 = tpu.memref_slice %arg8[%sub3A_201, %dma_wait3A_205] : memref<160x125xi32, #tpu.memory_space<vmem>> -> memref<1x125xi32, #tpu.memory_space<vmem>>
          %dma_wait3A_207 = tpu.memref_squeeze %dma_wait3A_206 : memref<1x125xi32, #tpu.memory_space<vmem>> -> memref<125xi32, #tpu.memory_space<vmem>>
          %dma_wait3A_208 = arith.constant 0 : i32
          %dma_wait3A_209 = arith.constant 0 : i32
          %dma_wait3A_210 = tpu.memref_slice %arg10[%dma_wait3A_208, %dma_wait3A_209] : memref<10240x64xf32, #tpu.memory_space<vmem_shared>> -> memref<10240x64xf32, #tpu.memory_space<vmem_shared>>
          tpu.wait_indirect_dma semaphore(%arg13 : memref<!tpu.dma_semaphore, #tpu.memory_space<semaphore_mem>>) src(%dma_wait3A_204 : memref<125x64xf32, #tpu.memory_space<vmem>>) dst(%dma_wait3A_210 : memref<10240x64xf32, #tpu.memory_space<vmem_shared>>)
        } else {
        }
        %dma_start3A_192 = arith.constant 256 : i32
        %dma_start3A_193 = arith.constant 0 : i32
        %dma_start3A_194 = tpu.memref_slice %arg9[%dma_start3A_192, %dma_start3A_193] : memref<640x64xf32, #tpu.memory_space<vmem>> -> memref<125x64xf32, #tpu.memory_space<vmem>>
        %dma_start3A_195 = arith.constant 0 : i32
        %dma_start3A_196 = tpu.memref_slice %arg7[%add3A_182, %dma_start3A_195] : memref<160x125xi32, #tpu.memory_space<vmem>> -> memref<1x125xi32, #tpu.memory_space<vmem>>
        %dma_start3A_197 = tpu.memref_squeeze %dma_start3A_196 : memref<1x125xi32, #tpu.memory_space<vmem>> -> memref<125xi32, #tpu.memory_space<vmem>>
        %dma_start3A_198 = arith.constant 0 : i32
        %dma_start3A_199 = arith.constant 0 : i32
        %dma_start3A_200 = tpu.memref_slice %arg2[%dma_start3A_198, %dma_start3A_199] : memref<20000x64xf32, #tpu.memory_space<hbm>> -> memref<20000x64xf32, #tpu.memory_space<hbm>>
        tpu.enqueue_indirect_dma source(%dma_start3A_200 : memref<20000x64xf32, #tpu.memory_space<hbm>>) target(%dma_start3A_194 : memref<125x64xf32, #tpu.memory_space<vmem>>) offsets(%dma_start3A_197 : memref<125xi32, #tpu.memory_space<vmem>>) semaphore(%arg13 : memref<!tpu.dma_semaphore, #tpu.memory_space<semaphore_mem>>)
      } else {
      }
    }
    %scan3A_34 = arith.constant 40 : i32
    %dma_wait3A = arith.constant 156 : i32
    %dma_wait3A_35 = arith.constant 0 : i32
    %dma_wait3A_36 = arith.constant 0 : i32
    %dma_wait3A_37 = tpu.memref_slice %arg9[%dma_wait3A_35, %dma_wait3A_36] : memref<640x64xf32, #tpu.memory_space<vmem>> -> memref<125x64xf32, #tpu.memory_space<vmem>>
    %dma_wait3A_38 = arith.constant 0 : i32
    %dma_wait3A_39 = tpu.memref_slice %arg8[%dma_wait3A, %dma_wait3A_38] : memref<160x125xi32, #tpu.memory_space<vmem>> -> memref<1x125xi32, #tpu.memory_space<vmem>>
    %dma_wait3A_40 = tpu.memref_squeeze %dma_wait3A_39 : memref<1x125xi32, #tpu.memory_space<vmem>> -> memref<125xi32, #tpu.memory_space<vmem>>
    %dma_wait3A_41 = arith.constant 0 : i32
    %dma_wait3A_42 = arith.constant 0 : i32
    %dma_wait3A_43 = tpu.memref_slice %arg10[%dma_wait3A_41, %dma_wait3A_42] : memref<10240x64xf32, #tpu.memory_space<vmem_shared>> -> memref<10240x64xf32, #tpu.memory_space<vmem_shared>>
    tpu.wait_indirect_dma semaphore(%arg11 : memref<!tpu.dma_semaphore, #tpu.memory_space<semaphore_mem>>) src(%dma_wait3A_37 : memref<125x64xf32, #tpu.memory_space<vmem>>) dst(%dma_wait3A_43 : memref<10240x64xf32, #tpu.memory_space<vmem_shared>>)
    %dma_wait3A_44 = arith.constant 157 : i32
    %dma_wait3A_45 = arith.constant 128 : i32
    %dma_wait3A_46 = arith.constant 0 : i32
    %dma_wait3A_47 = tpu.memref_slice %arg9[%dma_wait3A_45, %dma_wait3A_46] : memref<640x64xf32, #tpu.memory_space<vmem>> -> memref<125x64xf32, #tpu.memory_space<vmem>>
    %dma_wait3A_48 = arith.constant 0 : i32
    %dma_wait3A_49 = tpu.memref_slice %arg8[%dma_wait3A_44, %dma_wait3A_48] : memref<160x125xi32, #tpu.memory_space<vmem>> -> memref<1x125xi32, #tpu.memory_space<vmem>>
    %dma_wait3A_50 = tpu.memref_squeeze %dma_wait3A_49 : memref<1x125xi32, #tpu.memory_space<vmem>> -> memref<125xi32, #tpu.memory_space<vmem>>
    %dma_wait3A_51 = arith.constant 0 : i32
    %dma_wait3A_52 = arith.constant 0 : i32
    %dma_wait3A_53 = tpu.memref_slice %arg10[%dma_wait3A_51, %dma_wait3A_52] : memref<10240x64xf32, #tpu.memory_space<vmem_shared>> -> memref<10240x64xf32, #tpu.memory_space<vmem_shared>>
    tpu.wait_indirect_dma semaphore(%arg12 : memref<!tpu.dma_semaphore, #tpu.memory_space<semaphore_mem>>) src(%dma_wait3A_47 : memref<125x64xf32, #tpu.memory_space<vmem>>) dst(%dma_wait3A_53 : memref<10240x64xf32, #tpu.memory_space<vmem_shared>>)
    %dma_wait3A_54 = arith.constant 158 : i32
    %dma_wait3A_55 = arith.constant 256 : i32
    %dma_wait3A_56 = arith.constant 0 : i32
    %dma_wait3A_57 = tpu.memref_slice %arg9[%dma_wait3A_55, %dma_wait3A_56] : memref<640x64xf32, #tpu.memory_space<vmem>> -> memref<125x64xf32, #tpu.memory_space<vmem>>
    %dma_wait3A_58 = arith.constant 0 : i32
    %dma_wait3A_59 = tpu.memref_slice %arg8[%dma_wait3A_54, %dma_wait3A_58] : memref<160x125xi32, #tpu.memory_space<vmem>> -> memref<1x125xi32, #tpu.memory_space<vmem>>
    %dma_wait3A_60 = tpu.memref_squeeze %dma_wait3A_59 : memref<1x125xi32, #tpu.memory_space<vmem>> -> memref<125xi32, #tpu.memory_space<vmem>>
    %dma_wait3A_61 = arith.constant 0 : i32
    %dma_wait3A_62 = arith.constant 0 : i32
    %dma_wait3A_63 = tpu.memref_slice %arg10[%dma_wait3A_61, %dma_wait3A_62] : memref<10240x64xf32, #tpu.memory_space<vmem_shared>> -> memref<10240x64xf32, #tpu.memory_space<vmem_shared>>
    tpu.wait_indirect_dma semaphore(%arg13 : memref<!tpu.dma_semaphore, #tpu.memory_space<semaphore_mem>>) src(%dma_wait3A_57 : memref<125x64xf32, #tpu.memory_space<vmem>>) dst(%dma_wait3A_63 : memref<10240x64xf32, #tpu.memory_space<vmem_shared>>)
    %dma_wait3A_64 = arith.constant 159 : i32
    %dma_wait3A_65 = arith.constant 384 : i32
    %dma_wait3A_66 = arith.constant 0 : i32
    %dma_wait3A_67 = tpu.memref_slice %arg9[%dma_wait3A_65, %dma_wait3A_66] : memref<640x64xf32, #tpu.memory_space<vmem>> -> memref<125x64xf32, #tpu.memory_space<vmem>>
    %dma_wait3A_68 = arith.constant 0 : i32
    %dma_wait3A_69 = tpu.memref_slice %arg8[%dma_wait3A_64, %dma_wait3A_68] : memref<160x125xi32, #tpu.memory_space<vmem>> -> memref<1x125xi32, #tpu.memory_space<vmem>>
    %dma_wait3A_70 = tpu.memref_squeeze %dma_wait3A_69 : memref<1x125xi32, #tpu.memory_space<vmem>> -> memref<125xi32, #tpu.memory_space<vmem>>
    %dma_wait3A_71 = arith.constant 0 : i32
    %dma_wait3A_72 = arith.constant 0 : i32
    %dma_wait3A_73 = tpu.memref_slice %arg10[%dma_wait3A_71, %dma_wait3A_72] : memref<10240x64xf32, #tpu.memory_space<vmem_shared>> -> memref<10240x64xf32, #tpu.memory_space<vmem_shared>>
    tpu.wait_indirect_dma semaphore(%arg14 : memref<!tpu.dma_semaphore, #tpu.memory_space<semaphore_mem>>) src(%dma_wait3A_67 : memref<125x64xf32, #tpu.memory_space<vmem>>) dst(%dma_wait3A_73 : memref<10240x64xf32, #tpu.memory_space<vmem_shared>>)
    %barrier3A_74 = arith.constant 0 : index
    tpu.barrier barrier_id(%barrier3A_74)
    "tpu.region"() ({
      %run_scoped3A = tpu.sem_alloc : memref<!tpu.dma_semaphore, #tpu.memory_space<semaphore_mem>>
      %dma_start3A_75 = arith.constant 0 : i32
      %dma_start3A_76 = tpu.memref_slice %arg6[%arg0, %mul3A_0, %dma_start3A_75] : memref<2x10240x64xf32, #tpu.memory_space<hbm>> -> memref<1x640x64xf32, #tpu.memory_space<hbm>>
      %dma_start3A_77 = tpu.memref_squeeze %dma_start3A_76 : memref<1x640x64xf32, #tpu.memory_space<hbm>> -> memref<640x64xf32, #tpu.memory_space<hbm>>
      %dma_start3A_78 = arith.constant 0 : i32
      %dma_start3A_79 = tpu.memref_slice %arg10[%mul3A_0, %dma_start3A_78] : memref<10240x64xf32, #tpu.memory_space<vmem_shared>> -> memref<640x64xf32, #tpu.memory_space<vmem_shared>>
      tpu.enqueue_dma source(%dma_start3A_79 : memref<640x64xf32, #tpu.memory_space<vmem_shared>>) target(%dma_start3A_77 : memref<640x64xf32, #tpu.memory_space<hbm>>) target_semaphore(%run_scoped3A : memref<!tpu.dma_semaphore, #tpu.memory_space<semaphore_mem>>)
      %dma_wait3A_80 = arith.constant 0 : i32
      %dma_wait3A_81 = tpu.memref_slice %arg6[%arg0, %mul3A_0, %dma_wait3A_80] : memref<2x10240x64xf32, #tpu.memory_space<hbm>> -> memref<1x640x64xf32, #tpu.memory_space<hbm>>
      %dma_wait3A_82 = tpu.memref_squeeze %dma_wait3A_81 : memref<1x640x64xf32, #tpu.memory_space<hbm>> -> memref<640x64xf32, #tpu.memory_space<hbm>>
      %dma_wait3A_83 = arith.constant 0 : i32
      %dma_wait3A_84 = tpu.memref_slice %arg10[%mul3A_0, %dma_wait3A_83] : memref<10240x64xf32, #tpu.memory_space<vmem_shared>> -> memref<640x64xf32, #tpu.memory_space<vmem_shared>>
      tpu.wait_dma2 semaphore(%run_scoped3A : memref<!tpu.dma_semaphore, #tpu.memory_space<semaphore_mem>>) src(%dma_wait3A_84 : memref<640x64xf32, #tpu.memory_space<vmem_shared>>) dst(%dma_wait3A_82 : memref<640x64xf32, #tpu.memory_space<hbm>>)
      tpu.yield
    }) : () -> ()
    return
  }
}

module attributes {stable_mosaic.version = 14 : i64} {
  func.func @_tc1_body(%arg0: memref<10000x128xf32, #tpu.memory_space<vmem>>, %arg1: memref<2x5120x128xf32, #tpu.memory_space<vmem>>, %arg2: memref<128x128xf32, #tpu.memory_space<vmem>>, %arg3: memref<128xf32, #tpu.memory_space<vmem>>, %arg4: memref<128xf32, #tpu.memory_space<vmem>>, %arg5: memref<128xf32, #tpu.memory_space<vmem>>, %arg6: memref<128x128xf32, #tpu.memory_space<vmem>>, %arg7: memref<128xf32, #tpu.memory_space<vmem>>, %arg8: memref<10000x128xf32, #tpu.memory_space<vmem>>) attributes {dimension_semantics = [], scalar_prefetch = 0 : i64, scratch_operands = 0 : i64, tpu.core_type = #tpu.core_type<tc>} {
    %get3A = arith.constant 0 : index
    %get3A_0 = arith.constant 0 : index
    %get3A_1 = vector.load %arg0[%get3A, %get3A_0] : memref<10000x128xf32, #tpu.memory_space<vmem>>, vector<10000x128xf32>
    %get3A_2 = arith.constant 0 : index
    %get3A_3 = arith.constant 0 : index
    %get3A_4 = arith.constant 0 : index
    %get3A_5 = vector.load %arg1[%get3A_2, %get3A_3, %get3A_4] : memref<2x5120x128xf32, #tpu.memory_space<vmem>>, vector<1x5120x128xf32>
    %get3A_6 = vector.shape_cast %get3A_5 : vector<1x5120x128xf32> to vector<5120x128xf32>
    %get3A_7 = arith.constant 1 : index
    %get3A_8 = arith.constant 0 : index
    %get3A_9 = arith.constant 0 : index
    %get3A_10 = vector.load %arg1[%get3A_7, %get3A_8, %get3A_9] : memref<2x5120x128xf32, #tpu.memory_space<vmem>>, vector<1x5120x128xf32>
    %get3A_11 = vector.shape_cast %get3A_10 : vector<1x5120x128xf32> to vector<5120x128xf32>
    %slice3A = vector.extract_strided_slice %get3A_6 {offsets = [0, 0], sizes = [5120, 64], strides = [1, 1]} : vector<5120x128xf32> to vector<5120x64xf32>
    %slice3A_12 = vector.extract_strided_slice %get3A_11 {offsets = [0, 0], sizes = [5120, 64], strides = [1, 1]} : vector<5120x128xf32> to vector<5120x64xf32>
    %slice3A_13 = vector.extract_strided_slice %get3A_6 {offsets = [0, 64], sizes = [5120, 64], strides = [1, 1]} : vector<5120x128xf32> to vector<5120x64xf32>
    %slice3A_14 = vector.extract_strided_slice %get3A_11 {offsets = [0, 64], sizes = [5120, 64], strides = [1, 1]} : vector<5120x128xf32> to vector<5120x64xf32>
    %concatenate3A = tpu.concatenate %slice3A, %slice3A_12, %slice3A_13, %slice3A_14 in 1 : vector<5120x64xf32>, vector<5120x64xf32>, vector<5120x64xf32>, vector<5120x64xf32> -> vector<5120x256xf32>
    %reshape3A = vector.shape_cast %concatenate3A : vector<5120x256xf32> to vector<10240x128xf32>
    %slice3A_15 = vector.extract_strided_slice %reshape3A {offsets = [0, 0], sizes = [10000, 128], strides = [1, 1]} : vector<10240x128xf32> to vector<10000x128xf32>
    %add3A = arith.addf %get3A_1, %slice3A_15 : vector<10000x128xf32>
    %get3A_16 = arith.constant 0 : index
    %get3A_17 = arith.constant 0 : index
    %get3A_18 = vector.load %arg2[%get3A_16, %get3A_17] : memref<128x128xf32, #tpu.memory_space<vmem>>, vector<128x128xf32>
    %get3A_19 = arith.constant 0 : index
    %get3A_20 = vector.load %arg3[%get3A_19] : memref<128xf32, #tpu.memory_space<vmem>>, vector<128xf32>
    %get3A_21 = arith.constant 0 : index
    %get3A_22 = vector.load %arg4[%get3A_21] : memref<128xf32, #tpu.memory_space<vmem>>, vector<128xf32>
    %get3A_23 = arith.constant 0 : index
    %get3A_24 = vector.load %arg5[%get3A_23] : memref<128xf32, #tpu.memory_space<vmem>>, vector<128xf32>
    %get3A_25 = arith.constant 0 : index
    %get3A_26 = arith.constant 0 : index
    %get3A_27 = vector.load %arg6[%get3A_25, %get3A_26] : memref<128x128xf32, #tpu.memory_space<vmem>>, vector<128x128xf32>
    %get3A_28 = arith.constant 0 : index
    %get3A_29 = vector.load %arg7[%get3A_28] : memref<128xf32, #tpu.memory_space<vmem>>, vector<128xf32>
    %dot_general3A = arith.constant dense<0.000000e+00> : vector<10000x128xf32>
    %dot_general3A_30 = tpu.matmul %add3A, %get3A_18, %dot_general3A {dimension_numbers = #tpu.dot_dimension_numbers<[1], [0], [0], [1], [0, 0, 1, 1], [], []>, transpose_lhs_hint = false} : vector<10000x128xf32>, vector<128x128xf32>, vector<10000x128xf32> -> vector<10000x128xf32>
    %broadcast_in_dim3A = vector.shape_cast %get3A_20 : vector<128xf32> to vector<1x128xf32>
    %add3A_31 = vector.broadcast %broadcast_in_dim3A : vector<1x128xf32> to vector<10000x128xf32>
    %add3A_32 = arith.addf %dot_general3A_30, %add3A_31 : vector<10000x128xf32>
    %reduce_sum3A = arith.constant dense<0.000000e+00> : vector<128xf32>
    %reduce_sum3A_33 = vector.multi_reduction <add>, %add3A_32, %reduce_sum3A [0] : vector<10000x128xf32> to vector<128xf32>
    %broadcast_in_dim3A_34 = vector.shape_cast %reduce_sum3A_33 : vector<128xf32> to vector<1x128xf32>
    %div3A = arith.constant 1.000000e+04 : f32
    %div3A_35 = vector.broadcast %div3A : f32 to vector<1x128xf32>
    %div3A_36 = arith.divf %broadcast_in_dim3A_34, %div3A_35 : vector<1x128xf32>
    %sub3A = vector.broadcast %div3A_36 : vector<1x128xf32> to vector<10000x128xf32>
    %sub3A_37 = arith.subf %add3A_32, %sub3A : vector<10000x128xf32>
    %integer_pow3A = arith.mulf %sub3A_37, %sub3A_37 : vector<10000x128xf32>
    %reduce_sum3A_38 = arith.constant dense<0.000000e+00> : vector<128xf32>
    %reduce_sum3A_39 = vector.multi_reduction <add>, %integer_pow3A, %reduce_sum3A_38 [0] : vector<10000x128xf32> to vector<128xf32>
    %broadcast_in_dim3A_40 = vector.shape_cast %reduce_sum3A_39 : vector<128xf32> to vector<1x128xf32>
    %div3A_41 = arith.constant 1.000000e+04 : f32
    %div3A_42 = vector.broadcast %div3A_41 : f32 to vector<1x128xf32>
    %div3A_43 = arith.divf %broadcast_in_dim3A_40, %div3A_42 : vector<1x128xf32>
    %sub3A_44 = vector.broadcast %div3A_36 : vector<1x128xf32> to vector<10000x128xf32>
    %sub3A_45 = arith.subf %add3A_32, %sub3A_44 : vector<10000x128xf32>
    %add3A_46 = arith.constant 9.99999974E-6 : f32
    %add3A_47 = vector.broadcast %add3A_46 : f32 to vector<1x128xf32>
    %add3A_48 = arith.addf %div3A_43, %add3A_47 : vector<1x128xf32>
    %sqrt3A = math.sqrt %add3A_48 : vector<1x128xf32>
    %div3A_49 = vector.broadcast %sqrt3A : vector<1x128xf32> to vector<10000x128xf32>
    %div3A_50 = arith.divf %sub3A_45, %div3A_49 : vector<10000x128xf32>
    %broadcast_in_dim3A_51 = vector.shape_cast %get3A_22 : vector<128xf32> to vector<1x128xf32>
    %mul3A = vector.broadcast %broadcast_in_dim3A_51 : vector<1x128xf32> to vector<10000x128xf32>
    %mul3A_52 = arith.mulf %div3A_50, %mul3A : vector<10000x128xf32>
    %broadcast_in_dim3A_53 = vector.shape_cast %get3A_24 : vector<128xf32> to vector<1x128xf32>
    %add3A_54 = vector.broadcast %broadcast_in_dim3A_53 : vector<1x128xf32> to vector<10000x128xf32>
    %add3A_55 = arith.addf %mul3A_52, %add3A_54 : vector<10000x128xf32>
    %max3A = arith.constant 0.000000e+00 : f32
    %max3A_56 = vector.broadcast %max3A : f32 to vector<10000x128xf32>
    %max3A_57 = arith.maximumf %add3A_55, %max3A_56 : vector<10000x128xf32>
    %dot_general3A_58 = arith.constant dense<0.000000e+00> : vector<10000x128xf32>
    %dot_general3A_59 = tpu.matmul %max3A_57, %get3A_27, %dot_general3A_58 {dimension_numbers = #tpu.dot_dimension_numbers<[1], [0], [0], [1], [0, 0, 1, 1], [], []>, transpose_lhs_hint = false} : vector<10000x128xf32>, vector<128x128xf32>, vector<10000x128xf32> -> vector<10000x128xf32>
    %broadcast_in_dim3A_60 = vector.shape_cast %get3A_29 : vector<128xf32> to vector<1x128xf32>
    %add3A_61 = vector.broadcast %broadcast_in_dim3A_60 : vector<1x128xf32> to vector<10000x128xf32>
    %add3A_62 = arith.addf %dot_general3A_59, %add3A_61 : vector<10000x128xf32>
    %max3A_63 = arith.constant 0.000000e+00 : f32
    %max3A_64 = vector.broadcast %max3A_63 : f32 to vector<10000x128xf32>
    %max3A_65 = arith.maximumf %add3A_62, %max3A_64 : vector<10000x128xf32>
    %swap3A = arith.constant 0 : index
    %swap3A_66 = arith.constant 0 : index
    %swap3A_67 = vector.load %arg8[%swap3A, %swap3A_66] : memref<10000x128xf32, #tpu.memory_space<vmem>>, vector<10000x128xf32>
    tpu.vector_store %arg8[%swap3A, %swap3A_66], %max3A_65 {strides = array<i32>} : memref<10000x128xf32, #tpu.memory_space<vmem>>, vector<10000x128xf32>,
    return
  }
}

module attributes {stable_mosaic.version = 14 : i64} {
  func.func @_tc2_body(%arg0: memref<10000x128xf32, #tpu.memory_space<vmem>>, %arg1: memref<2x5120x128xf32, #tpu.memory_space<vmem>>, %arg2: memref<128x128xf32, #tpu.memory_space<vmem>>, %arg3: memref<128xf32, #tpu.memory_space<vmem>>, %arg4: memref<128xf32, #tpu.memory_space<vmem>>, %arg5: memref<128xf32, #tpu.memory_space<vmem>>, %arg6: memref<128x128xf32, #tpu.memory_space<vmem>>, %arg7: memref<128xf32, #tpu.memory_space<vmem>>, %arg8: memref<128x128xf32, #tpu.memory_space<vmem>>, %arg9: memref<128xf32, #tpu.memory_space<vmem>>, %arg10: memref<128x128xf32, #tpu.memory_space<vmem>>, %arg11: memref<128xf32, #tpu.memory_space<vmem>>, %arg12: memref<128x4xf32, #tpu.memory_space<vmem>>, %arg13: memref<4xf32, #tpu.memory_space<vmem>>, %arg14: memref<128x128xf32, #tpu.memory_space<vmem>>, %arg15: memref<128xf32, #tpu.memory_space<vmem>>, %arg16: memref<128x64xf32, #tpu.memory_space<vmem>>, %arg17: memref<64xf32, #tpu.memory_space<vmem>>, %arg18: memref<10000x1xi32, #tpu.memory_space<vmem>>, %arg19: memref<64x64xf32, #tpu.memory_space<vmem>>, %arg20: memref<10000x4xf32, #tpu.memory_space<vmem>>) attributes {dimension_semantics = [], scalar_prefetch = 0 : i64, scratch_operands = 0 : i64, tpu.core_type = #tpu.core_type<tc>} {
    %get3A = arith.constant 0 : index
    %get3A_0 = arith.constant 0 : index
    %get3A_1 = vector.load %arg0[%get3A, %get3A_0] : memref<10000x128xf32, #tpu.memory_space<vmem>>, vector<10000x128xf32>
    %get3A_2 = arith.constant 0 : index
    %get3A_3 = arith.constant 0 : index
    %get3A_4 = arith.constant 0 : index
    %get3A_5 = vector.load %arg1[%get3A_2, %get3A_3, %get3A_4] : memref<2x5120x128xf32, #tpu.memory_space<vmem>>, vector<1x5120x128xf32>
    %get3A_6 = vector.shape_cast %get3A_5 : vector<1x5120x128xf32> to vector<5120x128xf32>
    %get3A_7 = arith.constant 1 : index
    %get3A_8 = arith.constant 0 : index
    %get3A_9 = arith.constant 0 : index
    %get3A_10 = vector.load %arg1[%get3A_7, %get3A_8, %get3A_9] : memref<2x5120x128xf32, #tpu.memory_space<vmem>>, vector<1x5120x128xf32>
    %get3A_11 = vector.shape_cast %get3A_10 : vector<1x5120x128xf32> to vector<5120x128xf32>
    %slice3A = vector.extract_strided_slice %get3A_6 {offsets = [0, 0], sizes = [5120, 64], strides = [1, 1]} : vector<5120x128xf32> to vector<5120x64xf32>
    %slice3A_12 = vector.extract_strided_slice %get3A_11 {offsets = [0, 0], sizes = [5120, 64], strides = [1, 1]} : vector<5120x128xf32> to vector<5120x64xf32>
    %slice3A_13 = vector.extract_strided_slice %get3A_6 {offsets = [0, 64], sizes = [5120, 64], strides = [1, 1]} : vector<5120x128xf32> to vector<5120x64xf32>
    %slice3A_14 = vector.extract_strided_slice %get3A_11 {offsets = [0, 64], sizes = [5120, 64], strides = [1, 1]} : vector<5120x128xf32> to vector<5120x64xf32>
    %concatenate3A = tpu.concatenate %slice3A, %slice3A_12, %slice3A_13, %slice3A_14 in 1 : vector<5120x64xf32>, vector<5120x64xf32>, vector<5120x64xf32>, vector<5120x64xf32> -> vector<5120x256xf32>
    %reshape3A = vector.shape_cast %concatenate3A : vector<5120x256xf32> to vector<10240x128xf32>
    %slice3A_15 = vector.extract_strided_slice %reshape3A {offsets = [0, 0], sizes = [10000, 128], strides = [1, 1]} : vector<10240x128xf32> to vector<10000x128xf32>
    %add3A = arith.addf %get3A_1, %slice3A_15 : vector<10000x128xf32>
    %get3A_16 = arith.constant 0 : index
    %get3A_17 = arith.constant 0 : index
    %get3A_18 = vector.load %arg2[%get3A_16, %get3A_17] : memref<128x128xf32, #tpu.memory_space<vmem>>, vector<128x128xf32>
    %get3A_19 = arith.constant 0 : index
    %get3A_20 = vector.load %arg3[%get3A_19] : memref<128xf32, #tpu.memory_space<vmem>>, vector<128xf32>
    %get3A_21 = arith.constant 0 : index
    %get3A_22 = vector.load %arg4[%get3A_21] : memref<128xf32, #tpu.memory_space<vmem>>, vector<128xf32>
    %get3A_23 = arith.constant 0 : index
    %get3A_24 = vector.load %arg5[%get3A_23] : memref<128xf32, #tpu.memory_space<vmem>>, vector<128xf32>
    %get3A_25 = arith.constant 0 : index
    %get3A_26 = arith.constant 0 : index
    %get3A_27 = vector.load %arg6[%get3A_25, %get3A_26] : memref<128x128xf32, #tpu.memory_space<vmem>>, vector<128x128xf32>
    %get3A_28 = arith.constant 0 : index
    %get3A_29 = vector.load %arg7[%get3A_28] : memref<128xf32, #tpu.memory_space<vmem>>, vector<128xf32>
    %dot_general3A = arith.constant dense<0.000000e+00> : vector<10000x128xf32>
    %dot_general3A_30 = tpu.matmul %add3A, %get3A_18, %dot_general3A {dimension_numbers = #tpu.dot_dimension_numbers<[1], [0], [0], [1], [0, 0, 1, 1], [], []>, transpose_lhs_hint = false} : vector<10000x128xf32>, vector<128x128xf32>, vector<10000x128xf32> -> vector<10000x128xf32>
    %broadcast_in_dim3A = vector.shape_cast %get3A_20 : vector<128xf32> to vector<1x128xf32>
    %add3A_31 = vector.broadcast %broadcast_in_dim3A : vector<1x128xf32> to vector<10000x128xf32>
    %add3A_32 = arith.addf %dot_general3A_30, %add3A_31 : vector<10000x128xf32>
    %reduce_sum3A = arith.constant dense<0.000000e+00> : vector<128xf32>
    %reduce_sum3A_33 = vector.multi_reduction <add>, %add3A_32, %reduce_sum3A [0] : vector<10000x128xf32> to vector<128xf32>
    %broadcast_in_dim3A_34 = vector.shape_cast %reduce_sum3A_33 : vector<128xf32> to vector<1x128xf32>
    %div3A = arith.constant 1.000000e+04 : f32
    %div3A_35 = vector.broadcast %div3A : f32 to vector<1x128xf32>
    %div3A_36 = arith.divf %broadcast_in_dim3A_34, %div3A_35 : vector<1x128xf32>
    %sub3A = vector.broadcast %div3A_36 : vector<1x128xf32> to vector<10000x128xf32>
    %sub3A_37 = arith.subf %add3A_32, %sub3A : vector<10000x128xf32>
    %integer_pow3A = arith.mulf %sub3A_37, %sub3A_37 : vector<10000x128xf32>
    %reduce_sum3A_38 = arith.constant dense<0.000000e+00> : vector<128xf32>
    %reduce_sum3A_39 = vector.multi_reduction <add>, %integer_pow3A, %reduce_sum3A_38 [0] : vector<10000x128xf32> to vector<128xf32>
    %broadcast_in_dim3A_40 = vector.shape_cast %reduce_sum3A_39 : vector<128xf32> to vector<1x128xf32>
    %div3A_41 = arith.constant 1.000000e+04 : f32
    %div3A_42 = vector.broadcast %div3A_41 : f32 to vector<1x128xf32>
    %div3A_43 = arith.divf %broadcast_in_dim3A_40, %div3A_42 : vector<1x128xf32>
    %sub3A_44 = vector.broadcast %div3A_36 : vector<1x128xf32> to vector<10000x128xf32>
    %sub3A_45 = arith.subf %add3A_32, %sub3A_44 : vector<10000x128xf32>
    %add3A_46 = arith.constant 9.99999974E-6 : f32
    %add3A_47 = vector.broadcast %add3A_46 : f32 to vector<1x128xf32>
    %add3A_48 = arith.addf %div3A_43, %add3A_47 : vector<1x128xf32>
    %sqrt3A = math.sqrt %add3A_48 : vector<1x128xf32>
    %div3A_49 = vector.broadcast %sqrt3A : vector<1x128xf32> to vector<10000x128xf32>
    %div3A_50 = arith.divf %sub3A_45, %div3A_49 : vector<10000x128xf32>
    %broadcast_in_dim3A_51 = vector.shape_cast %get3A_22 : vector<128xf32> to vector<1x128xf32>
    %mul3A = vector.broadcast %broadcast_in_dim3A_51 : vector<1x128xf32> to vector<10000x128xf32>
    %mul3A_52 = arith.mulf %div3A_50, %mul3A : vector<10000x128xf32>
    %broadcast_in_dim3A_53 = vector.shape_cast %get3A_24 : vector<128xf32> to vector<1x128xf32>
    %add3A_54 = vector.broadcast %broadcast_in_dim3A_53 : vector<1x128xf32> to vector<10000x128xf32>
    %add3A_55 = arith.addf %mul3A_52, %add3A_54 : vector<10000x128xf32>
    %max3A = arith.constant 0.000000e+00 : f32
    %max3A_56 = vector.broadcast %max3A : f32 to vector<10000x128xf32>
    %max3A_57 = arith.maximumf %add3A_55, %max3A_56 : vector<10000x128xf32>
    %dot_general3A_58 = arith.constant dense<0.000000e+00> : vector<10000x128xf32>
    %dot_general3A_59 = tpu.matmul %max3A_57, %get3A_27, %dot_general3A_58 {dimension_numbers = #tpu.dot_dimension_numbers<[1], [0], [0], [1], [0, 0, 1, 1], [], []>, transpose_lhs_hint = false} : vector<10000x128xf32>, vector<128x128xf32>, vector<10000x128xf32> -> vector<10000x128xf32>
    %broadcast_in_dim3A_60 = vector.shape_cast %get3A_29 : vector<128xf32> to vector<1x128xf32>
    %add3A_61 = vector.broadcast %broadcast_in_dim3A_60 : vector<1x128xf32> to vector<10000x128xf32>
    %add3A_62 = arith.addf %dot_general3A_59, %add3A_61 : vector<10000x128xf32>
    %max3A_63 = arith.constant 0.000000e+00 : f32
    %max3A_64 = vector.broadcast %max3A_63 : f32 to vector<10000x128xf32>
    %max3A_65 = arith.maximumf %add3A_62, %max3A_64 : vector<10000x128xf32>
    %get3A_66 = arith.constant 0 : index
    %get3A_67 = arith.constant 0 : index
    %get3A_68 = vector.load %arg8[%get3A_66, %get3A_67] : memref<128x128xf32, #tpu.memory_space<vmem>>, vector<128x128xf32>
    %dot_general3A_69 = arith.constant dense<0.000000e+00> : vector<10000x128xf32>
    %dot_general3A_70 = tpu.matmul %max3A_65, %get3A_68, %dot_general3A_69 {dimension_numbers = #tpu.dot_dimension_numbers<[1], [0], [0], [1], [0, 0, 1, 1], [], []>, transpose_lhs_hint = false} : vector<10000x128xf32>, vector<128x128xf32>, vector<10000x128xf32> -> vector<10000x128xf32>
    %get3A_71 = arith.constant 0 : index
    %get3A_72 = vector.load %arg9[%get3A_71] : memref<128xf32, #tpu.memory_space<vmem>>, vector<128xf32>
    %broadcast_in_dim3A_73 = vector.shape_cast %get3A_72 : vector<128xf32> to vector<1x128xf32>
    %add3A_74 = vector.broadcast %broadcast_in_dim3A_73 : vector<1x128xf32> to vector<10000x128xf32>
    %add3A_75 = arith.addf %dot_general3A_70, %add3A_74 : vector<10000x128xf32>
    %max3A_76 = arith.constant 0.000000e+00 : f32
    %max3A_77 = vector.broadcast %max3A_76 : f32 to vector<10000x128xf32>
    %max3A_78 = arith.maximumf %add3A_75, %max3A_77 : vector<10000x128xf32>
    %get3A_79 = arith.constant 0 : index
    %get3A_80 = arith.constant 0 : index
    %get3A_81 = vector.load %arg10[%get3A_79, %get3A_80] : memref<128x128xf32, #tpu.memory_space<vmem>>, vector<128x128xf32>
    %dot_general3A_82 = arith.constant dense<0.000000e+00> : vector<10000x128xf32>
    %dot_general3A_83 = tpu.matmul %max3A_78, %get3A_81, %dot_general3A_82 {dimension_numbers = #tpu.dot_dimension_numbers<[1], [0], [0], [1], [0, 0, 1, 1], [], []>, transpose_lhs_hint = false} : vector<10000x128xf32>, vector<128x128xf32>, vector<10000x128xf32> -> vector<10000x128xf32>
    %get3A_84 = arith.constant 0 : index
    %get3A_85 = vector.load %arg11[%get3A_84] : memref<128xf32, #tpu.memory_space<vmem>>, vector<128xf32>
    %broadcast_in_dim3A_86 = vector.shape_cast %get3A_85 : vector<128xf32> to vector<1x128xf32>
    %add3A_87 = vector.broadcast %broadcast_in_dim3A_86 : vector<1x128xf32> to vector<10000x128xf32>
    %add3A_88 = arith.addf %dot_general3A_83, %add3A_87 : vector<10000x128xf32>
    %max3A_89 = arith.constant 0.000000e+00 : f32
    %max3A_90 = vector.broadcast %max3A_89 : f32 to vector<10000x128xf32>
    %max3A_91 = arith.maximumf %add3A_88, %max3A_90 : vector<10000x128xf32>
    %get3A_92 = arith.constant 0 : index
    %get3A_93 = arith.constant 0 : index
    %get3A_94 = vector.load %arg12[%get3A_92, %get3A_93] : memref<128x4xf32, #tpu.memory_space<vmem>>, vector<128x4xf32>
    %dot_general3A_95 = arith.constant dense<0.000000e+00> : vector<10000x4xf32>
    %dot_general3A_96 = tpu.matmul %max3A_91, %get3A_94, %dot_general3A_95 {dimension_numbers = #tpu.dot_dimension_numbers<[1], [0], [0], [1], [0, 0, 1, 1], [], []>, transpose_lhs_hint = false} : vector<10000x128xf32>, vector<128x4xf32>, vector<10000x4xf32> -> vector<10000x4xf32>
    %get3A_97 = arith.constant 0 : index
    %get3A_98 = vector.load %arg13[%get3A_97] : memref<4xf32, #tpu.memory_space<vmem>>, vector<4xf32>
    %broadcast_in_dim3A_99 = vector.shape_cast %get3A_98 : vector<4xf32> to vector<1x4xf32>
    %add3A_100 = vector.broadcast %broadcast_in_dim3A_99 : vector<1x4xf32> to vector<10000x4xf32>
    %add3A_101 = arith.addf %dot_general3A_96, %add3A_100 : vector<10000x4xf32>
    %max3A_102 = arith.constant 0.000000e+00 : f32
    %max3A_103 = vector.broadcast %max3A_102 : f32 to vector<10000x4xf32>
    %max3A_104 = arith.maximumf %add3A_101, %max3A_103 : vector<10000x4xf32>
    %swap3A = arith.constant 0 : index
    %swap3A_105 = arith.constant 0 : index
    %swap3A_106 = vector.load %arg20[%swap3A, %swap3A_105] : memref<10000x4xf32, #tpu.memory_space<vmem>>, vector<10000x4xf32>
    tpu.vector_store %arg20[%swap3A, %swap3A_105], %max3A_104 {strides = array<i32>} : memref<10000x4xf32, #tpu.memory_space<vmem>>, vector<10000x4xf32>,
    %iota3A = tpu.iota {dimensions = array<i32: 1>} : vector<10000x64xi32>
    %get3A_107 = arith.constant 0 : index
    %get3A_108 = arith.constant 0 : index
    %get3A_109 = vector.load %arg18[%get3A_107, %get3A_108] : memref<10000x1xi32, #tpu.memory_space<vmem>>, vector<10000x1xi32>
    %eq3A = vector.broadcast %get3A_109 : vector<10000x1xi32> to vector<10000x64xi32>
    %eq3A_110 = arith.cmpi eq, %eq3A, %iota3A : vector<10000x64xi32>
    %convert_element_type3A = arith.extui %eq3A_110 : vector<10000x64xi1> to vector<10000x64xi32>
    %convert_element_type3A_111 = arith.sitofp %convert_element_type3A : vector<10000x64xi32> to vector<10000x64xf32>
    %dot_general3A_112 = arith.constant dense<0.000000e+00> : vector<64x128xf32>
    %dot_general3A_113 = tpu.matmul %convert_element_type3A_111, %max3A_65, %dot_general3A_112 {dimension_numbers = #tpu.dot_dimension_numbers<[0], [0], [1], [1], [0, 1, 1, 1], [], []>, transpose_lhs_hint = false} : vector<10000x64xf32>, vector<10000x128xf32>, vector<64x128xf32> -> vector<64x128xf32>
    %get3A_114 = arith.constant 0 : index
    %get3A_115 = arith.constant 0 : index
    %get3A_116 = vector.load %arg14[%get3A_114, %get3A_115] : memref<128x128xf32, #tpu.memory_space<vmem>>, vector<128x128xf32>
    %dot_general3A_117 = arith.constant dense<0.000000e+00> : vector<64x128xf32>
    %dot_general3A_118 = tpu.matmul %dot_general3A_113, %get3A_116, %dot_general3A_117 {dimension_numbers = #tpu.dot_dimension_numbers<[1], [0], [0], [1], [0, 0, 1, 1], [], []>, transpose_lhs_hint = false} : vector<64x128xf32>, vector<128x128xf32>, vector<64x128xf32> -> vector<64x128xf32>
    %get3A_119 = arith.constant 0 : index
    %get3A_120 = vector.load %arg15[%get3A_119] : memref<128xf32, #tpu.memory_space<vmem>>, vector<128xf32>
    %broadcast_in_dim3A_121 = vector.shape_cast %get3A_120 : vector<128xf32> to vector<1x128xf32>
    %add3A_122 = vector.broadcast %broadcast_in_dim3A_121 : vector<1x128xf32> to vector<64x128xf32>
    %add3A_123 = arith.addf %dot_general3A_118, %add3A_122 : vector<64x128xf32>
    %max3A_124 = arith.constant 0.000000e+00 : f32
    %max3A_125 = vector.broadcast %max3A_124 : f32 to vector<64x128xf32>
    %max3A_126 = arith.maximumf %add3A_123, %max3A_125 : vector<64x128xf32>
    %get3A_127 = arith.constant 0 : index
    %get3A_128 = arith.constant 0 : index
    %get3A_129 = vector.load %arg16[%get3A_127, %get3A_128] : memref<128x64xf32, #tpu.memory_space<vmem>>, vector<128x64xf32>
    %dot_general3A_130 = arith.constant dense<0.000000e+00> : vector<64x64xf32>
    %dot_general3A_131 = tpu.matmul %max3A_126, %get3A_129, %dot_general3A_130 {dimension_numbers = #tpu.dot_dimension_numbers<[1], [0], [0], [1], [0, 0, 1, 1], [], []>, transpose_lhs_hint = false} : vector<64x128xf32>, vector<128x64xf32>, vector<64x64xf32> -> vector<64x64xf32>
    %get3A_132 = arith.constant 0 : index
    %get3A_133 = vector.load %arg17[%get3A_132] : memref<64xf32, #tpu.memory_space<vmem>>, vector<64xf32>
    %broadcast_in_dim3A_134 = vector.shape_cast %get3A_133 : vector<64xf32> to vector<1x64xf32>
    %add3A_135 = vector.broadcast %broadcast_in_dim3A_134 : vector<1x64xf32> to vector<64x64xf32>
    %add3A_136 = arith.addf %dot_general3A_131, %add3A_135 : vector<64x64xf32>
    %swap3A_137 = arith.constant 0 : index
    %swap3A_138 = arith.constant 0 : index
    %swap3A_139 = vector.load %arg19[%swap3A_137, %swap3A_138] : memref<64x64xf32, #tpu.memory_space<vmem>>, vector<64x64xf32>
    tpu.vector_store %arg19[%swap3A_137, %swap3A_138], %add3A_136 {strides = array<i32>} : memref<64x64xf32, #tpu.memory_space<vmem>>, vector<64x64xf32>,
    return
  }
}

</mosaic_0001>

<sc_bundles>
// kernel: kernel.6.cloned.1.call-start
scs
__scs_entry_jumppad:
0x0: {  	(pc) =	sbr.rel $0x88, $3  }
0x1: {  	(tag) =	ssettag $0x0;
	lr =	simm.s32 $0x1  }
0x2: {  	[smem:$0x3F88] =	sst lr;
	_ =	strace $0xD0000000  }
0x3: {  	_ = 	snop  }
0x4: {  	_ = 	snop  }
0x5: {  	_ = 	snop  }
0x6: {  	_ = 	snop  }
0x7: {  	_ = 	snop  }
__scs_overlays_trampoline_lowered:
0x8: {  	[smem:$0x3F97] =	sst s0  }
0x9: {  	[smem:$0x3F98] =	sst s1  }
0xa: {  	[smem:$0x3F99] =	sst s2  }
0xb: {  	[smem:$0x3F9A] =	sst s3  }
0xc: {  	[smem:$0x3F9B] =	sst s4  }
0xd: {  	[smem:$0x3F9C] =	sst s5  }
0xe: {  	[smem:$0x3F9D] =	sst s6  }
0xf: {  	[smem:$0x3F9E] =	sst s7  }
0x10: {  	[smem:$0x3F9F] =	sst s8  }
0x11: {  	[smem:$0x3FA0] =	sst s9;
	s0 =	simm.s32 @!p0 $0x0  }
0x12: {  	s1 =	sld [smem:$0x3F86];
	s0 =	simm.s32 @p0 $0x1  }
0x13: {  	[smem:$0x3FA1] =	sst s0;
	s0 =	simm.s32 @!p1 $0x0  }
0x14: {  	s2 =	sld [smem:$0x3F85];
	s0 =	simm.s32 @p1 $0x1  }
0x15: {  	[smem:$0x3FA2] =	sst s0;
	s0 =	simm.s32 @!p2 $0x0  }
0x16: {  	s3 =	sld [smem:$0x3FDB];
	s0 =	simm.s32 @p2 $0x1  }
0x17: {  	s4 =	simm.s32 $0x1BF5;
	[smem:$0x3FA4] =	sst s0  }
0x18: {  	s0 =	sld [smem:$0x3F87];
	_ =	swait.ge [sflag:s4], $0x0  }
0x19: {  	s7 =	sld [smem:$0x3F88]  }
0x1a: {  	s8 =	sadd.s32 $0xFFFFE003, lr  }
0x1b: {  	s9 =	sadd.s32 $0xFFFFFEF7, lr;
	s5 =	simm.s32 $0xFFFFFFFF;
	p2 =	slt.u32 s8, $0xFFFFF086  }
0x1c: {  	p1 =	slt.u32 s9, $0xF7A;
	s5 =	simm.s32 @!p2 $0x0  }
0x1d: {  	s5 =	simm.s32 @p1 $0x1;
	p0 =	seq.s32 s7, s2  }
0x1e: {  	s7 =	smul.u32 @!p0 $0xF7A, s2;
	p2 =	seq.s32 @!p0 s5, $0x0  }
0x1f: {  	s9 =	smul.u32 $0xF7A, s1;
	s8 =	simm.s32 @!p0 $0x1BF5;
	p2 =	por !p2, p0  }
0x20: {  	[sflag:s8] =	ssyncset.s32 @!p0 $0xFFFFF086;
	s6 =	sadd.s32 @!p0 s3, s7;
	s7 =	simm.s32 @!p0 $0x108  }
0x21: {  	s3 =	sadd.s32 s3, s9;
	s6 =	sadd.s32 @!p0 $0x88, s6;
	s7 =	simm.s32 @p2 $0x1082  }
0x22: {  	[simem:s7], [sflag:s8] =	dma.local @!p0 [hbm:s6], $0xF7A  }
0x23: {  	s9 =	sor.u32 $0xD0000000, s2;
	s6 =	simm.s32 $0x108;
	_ =	swait.ge @!p0 [sflag:s8], $0x0  }
0x24: {  	s3 =	sadd.s32 $0x88, s3;
	s6 =	simm.s32 @!p1 $0x1082;
	[sflag:s4] =	ssyncset.s32 $0xFFFFF086  }
0x25: {  	[simem:s6], [sflag:s4] =	dma.local [hbm:s3], $0xF7A  }
0x26: {  	[smem:$0x3F88] =	sst s1;
	(tag) =	ssettag s2;
	_ =	strace s9  }
0x27: {  	s1 =	sld [smem:$0x3F98]  }
0x28: {  	s2 =	sld [smem:$0x3F99]  }
0x29: {  	s4 =	sld [smem:$0x3F9B]  }
0x2a: {  	p0 =	seq.s32 s5, $0x0;
	s5 =	sld [smem:$0x3F9C]  }
0x2b: {  	s6 =	sld [smem:$0x3F9D]  }
0x2c: {  	s7 =	sld [smem:$0x3F9E]  }
0x2d: {  	s3 =	simm.s32 $0x108;
	s8 =	sld [smem:$0x3F9F]  }
0x2e: {  	s3 =	simm.s32 @!p0 $0x1082;
	s9 =	sld [smem:$0x3FA0]  }
0x2f: {  	lr =	sadd.s32 s0, s3;
	s0 =	sld [smem:$0x3F97]  }
0x30: {  	s3 =	sld [smem:$0x3F9A]  }
0x31: {  	[smem:$0x3FA3] =	sst s10  }
0x32: {  	s10 =	sld [smem:$0x3FA1];
	_ =	sdelay $0x3  }
0x33: {  	p0 =	seq.s32 s10, $0x1;
	s10 =	sld [smem:$0x3FA3];
	_ =	sdelay $0x3  }
0x34: {  	[smem:$0x3FA3] =	sst s10  }
0x35: {  	s10 =	sld [smem:$0x3FA2];
	_ =	sdelay $0x3  }
0x36: {  	p1 =	seq.s32 s10, $0x1;
	s10 =	sld [smem:$0x3FA3];
	_ =	sdelay $0x3  }
0x37: {  	[smem:$0x3FA3] =	sst s10  }
0x38: {  	s10 =	sld [smem:$0x3FA4]  }
0x39: {  	_ = 	snop;
	(pc) =	sbr.ind lr, $3  }
0x3a: {  	_ = 	snop  }
0x3b: {  	_ = 	snop  }
0x3c: {  	p2 =	seq.s32 s10, $0x1;
	s10 =	sld [smem:$0x3FA3]  }
0x3d: {  	_ =	shalt  }
0x3e: {  	_ =	shalt  }
0x3f: {  	_ =	shalt  }
0x40: {  	_ =	shalt  }
0x41: {  	_ =	shalt  }
0x42: {  	_ =	shalt  }
0x43: {  	_ =	shalt  }
0x44: {  	_ =	shalt  }
0x45: {  	_ =	shalt  }
0x46: {  	_ =	shalt  }
0x47: {  	_ =	shalt  }
0x48: {  	_ =	shalt  }
0x49: {  	_ =	shalt  }
0x4a: {  	_ =	shalt  }
0x4b: {  	_ =	shalt  }
0x4c: {  	_ =	shalt  }
0x4d: {  	_ =	shalt  }
0x4e: {  	_ =	shalt  }
0x4f: {  	_ =	shalt  }
0x50: {  	_ =	shalt  }
0x51: {  	_ =	shalt  }
0x52: {  	_ =	shalt  }
0x53: {  	_ =	shalt  }
0x54: {  	_ =	shalt  }
0x55: {  	_ =	shalt  }
0x56: {  	_ =	shalt  }
0x57: {  	_ =	shalt  }
0x58: {  	_ =	shalt  }
0x59: {  	_ =	shalt  }
0x5a: {  	_ =	shalt  }
0x5b: {  	_ =	shalt  }
0x5c: {  	_ =	shalt  }
0x5d: {  	_ =	shalt  }
0x5e: {  	_ =	shalt  }
0x5f: {  	_ =	shalt  }
0x60: {  	_ =	shalt  }
0x61: {  	_ =	shalt  }
0x62: {  	_ =	shalt  }
0x63: {  	_ =	shalt  }
0x64: {  	_ =	shalt  }
0x65: {  	_ =	shalt  }
0x66: {  	_ =	shalt  }
0x67: {  	_ =	shalt  }
0x68: {  	_ =	shalt  }
0x69: {  	_ =	shalt  }
0x6a: {  	_ =	shalt  }
0x6b: {  	_ =	shalt  }
0x6c: {  	_ =	shalt  }
0x6d: {  	_ =	shalt  }
0x6e: {  	_ =	shalt  }
0x6f: {  	_ =	shalt  }
0x70: {  	_ =	shalt  }
0x71: {  	_ =	shalt  }
0x72: {  	_ =	shalt  }
0x73: {  	_ =	shalt  }
0x74: {  	_ =	shalt  }
0x75: {  	_ =	shalt  }
0x76: {  	_ =	shalt  }
0x77: {  	_ =	shalt  }
0x78: {  	_ =	shalt  }
0x79: {  	_ =	shalt  }
0x7a: {  	_ =	shalt  }
0x7b: {  	_ =	shalt  }
0x7c: {  	_ =	shalt  }
0x7d: {  	_ =	shalt  }
0x7e: {  	_ =	shalt  }
0x7f: {  	_ =	shalt  }
0x80: {  	_ =	shalt  }
0x81: {  	_ =	shalt  }
0x82: {  	_ =	shalt  }
0x83: {  	_ =	shalt  }
0x84: {  	_ =	shalt  }
0x85: {  	_ =	shalt  }
0x86: {  	_ =	shalt  }
0x87: {  	_ =	shalt  }
.Lfunc_end0:
.L_simem_size_0:
called_computation_lowered:
.L_overlay_start_0:
0x88: {  	s2 =	sld [smem:$0x3FD9]  }
0x89: {  	s3 =	sld [smem:$0x3FFE];
	_ =	sdelay $0x1  }
0x8a: {  	s1 =	srdreg.scid  }
0x8b: {  	s0 =	sand.u32 $0x1, s1  }
0x8c: {  	s17 =	sshll.u32 s0, $0xA;
	s2 =	sadd.s32 s3, s2  }
0x8d: {  	s2 =	sadd.s32 s2, s17  }
0x8e: {  	[smem:$0x3FAF] =	sst s2  }
0x8f: {  	_ = 	snop  }
0x90: {  	s2 =	sld [smem:$0x3FC9];
	(tm) =	ssettm $0x1  }
0x91: {  	s18 =	sld [smem:$0x3FFB];
	_ =	sdelay $0x3  }
0x92: {  	_ =	strace s18  }
0x93: {  	s3 =	sld [smem:$0x3FFC];
	_ =	sdelay $0x3  }
0x94: {  	_ =	strace s3  }
0x95: {  	s3 =	sld [smem:$0x3FFD];
	_ =	sdelay $0x3  }
0x96: {  	_ =	strace s3  }
0x97: {  	_ =	strace $0x8FFFFFFF  }
0x98: {  	s19 =	sld [smem:$0x3FDB];
	_ =	sdelay $0x1  }
0x99: {  	s4 =	simm.s32 $_scs_section_size  }
0x9a: {  	s5 =	simm.s32 $_size__tile_overlayer_lowered;
	s6 =	simm.s32 $_tile_overlayer_lowered  }
0x9b: {  	s22 =	simm.s32 $0x1BFF;
	s21 =	sshll.u32 s6, $0x1;
	s3 =	sadd.s32 s4, s19  }
0x9c: {  	s7 =	simm.s32 $0x0;
	s20 =	sshll.u32 s5, $0x1;
	s5 =	sadd.s32 s21, s3  }
0x9d: {  	[timem:s7], [sflag:s22] =	dma.local [hbm:s5], s20  }
0x9e: {  	_ =	swait.ge [sflag:s22], s20  }
0x9f: {  	s4 =	ssub.s32 $0x0, s20;
	[sflag:s22] =	ssyncset.done $0x0  }
0xa0: {  	[sflag:s22] =	ssyncadd.s32 s4;
	_ =	sdelay $0x1  }
0xa1: {  	s23 =	simm.s32 $0x1B8B  }
0xa2: {  	_ =	swait.ge [sflag:s23], $0x1  }
0xa3: {  	[sflag:s23] =	ssyncset.done $0x0  }
0xa4: {  	s25 =	simm.s32 $0x1B8E;
	s24 =	sld [smem:$0x3FFE];
	[sflag:s23] =	ssyncadd.s32 $0xFFFFFFFF  }
0xa5: {  	s26 =	simm.s32 $execute0_lowered;
	[smem:$0x3FD2] =	sst s25  }
0xa6: {  	s5 =	sshll.u32 s26, $0x1;
	_ =	strace $0x80000046;
	[dreg:$0x1] =	wrdreg $0xFFFFFFFF  }
0xa7: {  	s28 =	simm.s32 $_size_execute0_lowered;
	s3 =	sadd.s32 s3, s5;
	[dreg:$0x0] =	wrdreg $0x0  }
0xa8: {  	s5 =	sshll.u32 s28, $0x1;
	[dreg:$0x2] =	wrdreg s3  }
0xa9: {  	[dreg:$0x3] =	wrdreg s5  }
0xaa: {  	[dreg:$0x4] =	wrdreg $0xC0  }
0xab: {  	_ =	task [dreg:s7], $0x5FFFF  }
0xac: {  	[dreg:$0x1] =	wrdreg $0xFFFFFFFF  }
0xad: {  	[dreg:$0x0] =	wrdreg $0x60  }
0xae: {  	[dreg:$0x2] =	wrdreg s2  }
0xaf: {  	[dreg:$0x3] =	wrdreg s24  }
0xb0: {  	[dreg:$0x4] =	wrdreg $0x140000  }
0xb1: {  	[dreg:$0x5] =	wrdreg $0x9  }
0xb2: {  	_ =	task.clear_ibuf [dreg:s7], $0x6FFFF;
	_ =	strace $0x90000046  }
0xb3: {  	s29 =	simm.s32 $0x9;
	_ =	strace $0x80000048  }
0xb4: {  	_ =	swait.ge [sflag:s29], $0x1  }
0xb5: {  	[sflag:s29] =	ssyncadd.s32 $0xFFFFFFFF  }
0xb6: {  	_ =	strace $0x90000048  }
0xb7: {  	_ =	sfence  }
0xb8: {  	s30 =	sld [smem:$0x0];
	_ =	sdelay $0x2  }
0xb9: {  	s31 =	sshll.u32 s1, $0xD;
	s1 =	sshrl.u32 s1, $0x2  }
0xba: {  	s3 =	sand.u32 $0x4000, s31;
	s1 =	sadd.s32 s1, s30  }
0xbb: {  	s0 =	sor.u32 s3, s0;
	s1 =	sshll.u32 s1, $0x11  }
0xbc: {  	s0 =	sor.u32 s1, s0  }
0xbd: {  	s0 =	sadd.s32 $0x8F2B, s0  }
0xbe: {  	[sflag:s0] =	ssyncadd.remote.s32 $0x1  }
0xbf: {  	_ =	sfence.sel $0xFFFF  }
0xc0: {  	[dreg:$0x0] =	wrdreg $0xFFFFFFFF;
	(pc) =	sbr.abs _section_cstart, $3  }
0xc1: {  	[dreg:$0x1] =	wrdreg $0xFFFFFFFF  }
0xc2: {  	_ =	task.clear_ibuf [dreg:s7], $0x2FFFF;
	_ =	strace $0x9FFFFFFF  }
0xc3: {  	(tm) =	ssettm $0x7FFFFFFF  }
tec
execute0_lowered:
.L_overlay_start_1:
0x0: {  	(tag) =	ssettag $0x1  }
0x1: {  	s1 =	rddreg [dreg:$0x0];
	s0 =	srdreg.scid  }
0x2: {  	s12 =	stileid.u32;
	s2 =	rddreg [dreg:$0x1]  }
0x3: {  	s3 =	rddreg [dreg:$0x2];
	s4 =	simm.s32 $0x0;
	s10 =	simm.s32 $0x5  }
0x4: {  	s11 =	simm.s32 $0x5000;
	s14 =	simm.s32 $0x7D;
	s15 =	simm.s32 $0xA000  }
0x5: {  	s17 =	simm.s32 $0xC000;
	s19 =	simm.s32 $0xE000;
	s20 =	simm.s32 $0x1  }
0x6: {  	s22 =	simm.s32 $0x10000;
	s23 =	simm.s32 $0x2;
	s5 =	smul.u32 $0x5000, s12  }
0x7: {  	s29 =	simm.s32 $0x280;
	s0 =	sand.u32 $0x1, s0;
	s8 =	smul.u32 $0xA000, s12  }
0x8: {  	s30 =	simm.s32 $0x4;
	s31 =	simm.s32 $0x5180;
	s6 =	smul.u32 $0x50000, s0  }
0x9: {  	[smem:$0x7FF] =	sst s4;
	s28 =	sshll.u32 s12, $0x6;
	s7 =	smul.u32 $0xA0000, s0  }
0xa: {  	_ =	strace $0x80000047;
	s0 =	ssub.s32 $0x2, s0;
	s12 =	sor.u32 $0x1C05, s28  }
0xb: {  	s26 =	sshrl.u32 s0, $0x1;
	s13 =	sadd.s32 s8, s3;
	s6 =	sadd.s32 s5, s6  }
0xc: {  	s5 =	sshrl.u32 s5, $0x3;
	s7 =	sadd.s32 s8, s7;
	s0 =	ssub.s32 s0, s26  }
.Ltmp0:
0xd: {  	s13 =	sshrl.u32 s13, $0x3;
	s26 =	simm.s32 $0x3;
	(pc) =	sbr.rel .LBB2_1-.Ltmp0, $4  }
0xe: {  	s6 =	sshrl.u32 s6, $0x3;
	s9 =	sadd.s32 s5, s2;
	s7 =	sshrl.u32 s7, $0x3  }
0xf: {  	s5 =	sadd.s32 $0x22000, s2;
	s6 =	sadd.s32 s6, s2;
	s2 =	sadd.s32 s7, s2  }
0x10: {  	s7 =	sadd.s32 $0x4000, s9;
	s9 =	smax.u32 s0, $0x1;
	s0 =	simm.s32 $0x0  }
0x11: {  	s6 =	sadd.s32 $0xE000, s6;
	s8 =	sadd.s32 $0x23400, s2;
	s2 =	simm.s32 $0x300  }
.LBB2_4:
0x12: {  	_ =	swait.ge [sflag:s20], $0x1F40  }
0x13: {  	[sflag:s20] =	ssyncset.done $0x0  }
0x14: {  	[sflag:s20] =	ssyncadd.s32 $0xFFFFE0C0  }
0x15: {  	_ =	swait.ge [sflag:s23], $0x1F40  }
0x16: {  	[sflag:s23] =	ssyncset.done $0x0  }
0x17: {  	[sflag:s23] =	ssyncadd.s32 $0xFFFFE0C0  }
0x18: {  	_ =	swait.ge [sflag:s26], $0x1F40  }
0x19: {  	[sflag:s26] =	ssyncset.done $0x0  }
0x1a: {  	[sflag:s26] =	ssyncadd.s32 $0xFFFFE0C0  }
0x1b: {  	_ =	swait.ge [sflag:s30], $0x1F40  }
0x1c: {  	s0 =	sadd.s32 $0x1, s0;
	[sflag:s30] =	ssyncset.done $0x0  }
0x1d: {  	p0 =	sne.s32 s0, s9;
	[sflag:s30] =	ssyncadd.s32 $0xFFFFE0C0  }
.Ltmp1:
0x1e: {  	[bflag:$0x0] =	sbarrier.arrive $0xFFFF;
	(pc) =	sbr.rel @!p0 .LBB2_5-.Ltmp1, $4  }
0x1f: {  	[hbm:s8], [sflag:s12] =	dma.local [spmem:s13], $0x1400  }
0x20: {  	_ =	swait.ge [sflag:s10], $0x1400  }
0x21: {  	[sflag:s10] =	ssyncset.done $0x0  }
0x22: {  	[sflag:s10] =	ssyncadd.s32 $0xFFFFEC00  }
.LBB2_1:
0x23: {  	[tilespmem:s4], [sflag:$0x5] =	stream.linear.gather [hbm4b:s6+s4], $0x5000, $0x38;
	[tilespmem:$0x1E000] =	vst v63  }
0x24: {  	_ =	swait.ge [sflag:s10], $0x5000  }
0x25: {  	[sflag:s10] =	ssyncset.done $0x0  }
0x26: {  	[sflag:s10] =	ssyncadd.s32 $0xFFFFB000  }
0x27: {  	[tilespmem:s11], [sflag:$0x5] =	stream.linear.gather [hbm4b:s7+s4], $0x5000, $0x38;
	[tilespmem:$0x1E000] =	vst v63  }
0x28: {  	_ =	swait.ge [sflag:s10], $0x5000  }
0x29: {  	[sflag:s10] =	ssyncset.done $0x0  }
0x2a: {  	[sflag:s10] =	ssyncadd.s32 $0xFFFFB000  }
0x2b: {  	[spmem:s13], [sflag:s12] =	dma.local [hbm:s5], $0x1400  }
0x2c: {  	_ =	swait.ge [sflag:s10], $0x1400  }
0x2d: {  	[sflag:s10] =	ssyncset.done $0x0  }
0x2e: {  	[sflag:s10] =	ssyncadd.s32 $0xFFFFEC00  }
0x2f: {  	[bflag:$0x0] =	sbarrier.arrive $0xFFFF  }
0x30: {  	[tilespmem:s15], [sflag:$0x1] =	stream.indirect.gather [hbm4b:s1+s14], $0x40, s4, s14, $0xb8;
	[tilespmem:$0x1E000] =	vst v63  }
0x31: {  	s16 =	simm.s32 $0x80  }
0x32: {  	[tilespmem:s17], [sflag:$0x2] =	stream.indirect.gather [hbm4b:s1+s14], $0x40, s16, s14, $0xb8;
	[tilespmem:$0x1E000] =	vst v63  }
0x33: {  	s18 =	simm.s32 $0x100  }
0x34: {  	[tilespmem:s19], [sflag:$0x3] =	stream.indirect.gather [hbm4b:s1+s14], $0x40, s18, s14, $0xb8;
	[tilespmem:$0x1E000] =	vst v63  }
0x35: {  	_ =	swait.ge [sflag:s20], $0x1F40  }
0x36: {  	[sflag:s20] =	ssyncset.done $0x0  }
0x37: {  	[sflag:s20] =	ssyncadd.s32 $0xFFFFE0C0  }
0x38: {  	[spmem:s3] =	stream.indirect.scatter.add.f32 [tilespmem:s15], [sflag:$0x1], $0x40, s11, s14, $0xb8;
	[tilespmem:$0x1E000] =	vst v63  }
0x39: {  	s21 =	simm.s32 $0x180  }
0x3a: {  	[tilespmem:s22], [sflag:$0x4] =	stream.indirect.gather [hbm4b:s1+s14], $0x40, s21, s14, $0xb8;
	[tilespmem:$0x1E000] =	vst v63  }
0x3b: {  	_ =	swait.ge [sflag:s23], $0x1F40  }
0x3c: {  	[sflag:s23] =	ssyncset.done $0x0  }
0x3d: {  	s24 =	simm.s32 $0x5080;
	[sflag:s23] =	ssyncadd.s32 $0xFFFFE0C0  }
0x3e: {  	[spmem:s3] =	stream.indirect.scatter.add.f32 [tilespmem:s17], [sflag:$0x2], $0x40, s24, s14, $0xb8;
	[tilespmem:$0x1E000] =	vst v63  }
0x3f: {  	_ =	swait.ge [sflag:s20], $0x1F40  }
0x40: {  	[sflag:s20] =	ssyncset.done $0x0  }
0x41: {  	s25 =	simm.s32 $0x200;
	[sflag:s20] =	ssyncadd.s32 $0xFFFFE0C0  }
0x42: {  	[tilespmem:s15], [sflag:$0x1] =	stream.indirect.gather [hbm4b:s1+s14], $0x40, s25, s14, $0xb8;
	[tilespmem:$0x1E000] =	vst v63  }
0x43: {  	_ =	swait.ge [sflag:s26], $0x1F40  }
0x44: {  	[sflag:s26] =	ssyncset.done $0x0  }
0x45: {  	s28 =	simm.s32 $0x5100;
	[sflag:s26] =	ssyncadd.s32 $0xFFFFE0C0  }
0x46: {  	[spmem:s3] =	stream.indirect.scatter.add.f32 [tilespmem:s19], [sflag:$0x3], $0x40, s28, s14, $0xb8;
	[tilespmem:$0x1E000] =	vst v63  }
0x47: {  	_ =	swait.ge [sflag:s23], $0x1F40  }
0x48: {  	[sflag:s23] =	ssyncset.done $0x0  }
0x49: {  	[sflag:s23] =	ssyncadd.s32 $0xFFFFE0C0  }
0x4a: {  	[tilespmem:s17], [sflag:$0x2] =	stream.indirect.gather [hbm4b:s1+s14], $0x40, s29, s14, $0xb8;
	[tilespmem:$0x1E000] =	vst v63  }
0x4b: {  	_ =	swait.ge [sflag:s30], $0x1F40  }
0x4c: {  	[sflag:s30] =	ssyncset.done $0x0  }
0x4d: {  	[sflag:s30] =	ssyncadd.s32 $0xFFFFE0C0  }
0x4e: {  	[spmem:s3] =	stream.indirect.scatter.add.f32 [tilespmem:s22], [sflag:$0x4], $0x40, s31, s14, $0xb8;
	[tilespmem:$0x1E000] =	vst v63  }
0x4f: {  	_ =	swait.ge [sflag:s26], $0x1F40  }
0x50: {  	[sflag:s26] =	ssyncset.done $0x0  }
0x51: {  	s16 =	simm.s32 $0x0;
	[sflag:s26] =	ssyncadd.s32 $0xFFFFE0C0  }
0x52: {  	[tilespmem:s19], [sflag:$0x3] =	stream.indirect.gather [hbm4b:s1+s14], $0x40, s2, s14, $0xb8;
	[tilespmem:$0x1E000] =	vst v63  }
.LBB2_2:
0x53: {  	_ =	swait.ge [sflag:s20], $0x1F40  }
0x54: {  	s18 =	sshra.s32 s16, $0x2;
	[sflag:s20] =	ssyncset.done $0x0  }
0x55: {  	s21 =	sadd.s32 $0x5200, s18;
	[sflag:s20] =	ssyncadd.s32 $0xFFFFE0C0  }
0x56: {  	[spmem:s3] =	stream.indirect.scatter.add.f32 [tilespmem:s15], [sflag:$0x1], $0x40, s21, s14, $0xb8;
	[tilespmem:$0x1E000] =	vst v63  }
0x57: {  	_ =	swait.ge [sflag:s30], $0x1F40  }
0x58: {  	[sflag:s30] =	ssyncset.done $0x0  }
0x59: {  	s24 =	sadd.s32 $0x380, s18;
	[sflag:s30] =	ssyncadd.s32 $0xFFFFE0C0  }
0x5a: {  	[tilespmem:s22], [sflag:$0x4] =	stream.indirect.gather [hbm4b:s1+s14], $0x40, s24, s14, $0xb8;
	[tilespmem:$0x1E000] =	vst v63  }
0x5b: {  	_ =	swait.ge [sflag:s23], $0x1F40  }
0x5c: {  	p0 =	seq.s32 s16, $0x13000;
	[sflag:s23] =	ssyncset.done $0x0  }
0x5d: {  	s25 =	sadd.s32 $0x5280, s18;
	s21 =	simm.s32 @p0 $0x3;
	[sflag:s23] =	ssyncadd.s32 $0xFFFFE0C0  }
0x5e: {  	[spmem:s3] =	stream.indirect.scatter.add.f32 [tilespmem:s17], [sflag:$0x2], $0x40, s25, s14, $0xb8;
	[tilespmem:$0x1E000] =	vst v63  }
0x5f: {  	_ =	swait.ge @p0 [sflag:s21], $0x1F40  }
0x60: {  	[sflag:s21] =	ssyncset.done @p0 $0x0  }
0x61: {  	[sflag:s21] =	ssyncadd.s32 @p0 $0xFFFFE0C0;
	s21 =	sshra.s32 @p0 s16, $0x2  }
0x62: {  	s24 =	simm.s32 @p0 $0x7D;
	s25 =	simm.s32 @p0 $0xE000;
	s21 =	sadd.s32 @p0 $0x5300, s21  }
0x63: {  	[spmem:s3] =	stream.indirect.scatter.add.f32 @p0 [tilespmem:s25], [sflag:$0x3], $0x40, s21, s24, $0xb8;
	[tilespmem:$0x1E000] =	vst v63  }
0x64: {  	s21 =	simm.s32 @!p0 $0x1  }
0x65: {  	_ =	swait.ge @!p0 [sflag:s21], $0x1F40  }
0x66: {  	[sflag:s21] =	ssyncset.done @!p0 $0x0  }
0x67: {  	[sflag:s21] =	ssyncadd.s32 @!p0 $0xFFFFE0C0;
	s21 =	sshra.s32 @!p0 s16, $0x2  }
0x68: {  	s28 =	simm.s32 @!p0 $0xA000;
	s25 =	simm.s32 @!p0 $0x7D;
	s24 =	sadd.s32 @!p0 $0x400, s21  }
0x69: {  	[tilespmem:s28], [sflag:$0x1] =	stream.indirect.gather @!p0 [hbm4b:s1+s25], $0x40, s24, s25, $0xb8;
	[tilespmem:$0x1E000] =	vst v63  }
0x6a: {  	s24 =	simm.s32 @!p0 $0x3  }
0x6b: {  	_ =	swait.ge @!p0 [sflag:s24], $0x1F40  }
0x6c: {  	[sflag:s24] =	ssyncset.done @!p0 $0x0  }
0x6d: {  	s28 =	simm.s32 @!p0 $0xE000;
	[sflag:s24] =	ssyncadd.s32 @!p0 $0xFFFFE0C0;
	s24 =	sadd.s32 @!p0 $0x5300, s21  }
0x6e: {  	[spmem:s3] =	stream.indirect.scatter.add.f32 @!p0 [tilespmem:s28], [sflag:$0x3], $0x40, s24, s25, $0xb8;
	[tilespmem:$0x1E000] =	vst v63  }
0x6f: {  	s24 =	simm.s32 @!p0 $0x2  }
0x70: {  	_ =	swait.ge @!p0 [sflag:s24], $0x1F40  }
0x71: {  	[sflag:s24] =	ssyncset.done @!p0 $0x0  }
0x72: {  	s21 =	sadd.s32 @!p0 $0x480, s21;
	[sflag:s24] =	ssyncadd.s32 @!p0 $0xFFFFE0C0;
	s24 =	simm.s32 @!p0 $0xC000  }
0x73: {  	[tilespmem:s24], [sflag:$0x2] =	stream.indirect.gather @!p0 [hbm4b:s1+s25], $0x40, s21, s25, $0xb8;
	[tilespmem:$0x1E000] =	vst v63  }
.Ltmp2:
0x74: {  	_ = 	snop;
	(pc) =	sbr.rel @p0 .LBB2_4-.Ltmp2, $4  }
0x75: {  	_ =	swait.ge [sflag:s30], $0x1F40  }
0x76: {  	[sflag:s30] =	ssyncset.done $0x0  }
0x77: {  	s28 =	sadd.s32 $0x5380, s18;
	[sflag:s30] =	ssyncadd.s32 $0xFFFFE0C0  }
0x78: {  	[spmem:s3] =	stream.indirect.scatter.add.f32 [tilespmem:s22], [sflag:$0x4], $0x40, s28, s14, $0xb8;
	[tilespmem:$0x1E000] =	vst v63  }
.Ltmp3:
0x79: {  	(pc) =	sbr.rel .LBB2_2-.Ltmp3, $4  }
0x7a: {  	_ =	swait.ge [sflag:s26], $0x1F40  }
0x7b: {  	[sflag:s26] =	ssyncset.done $0x0  }
0x7c: {  	s18 =	sadd.s32 $0x500, s18;
	s16 =	sadd.s32 $0x800, s16;
	[sflag:s26] =	ssyncadd.s32 $0xFFFFE0C0  }
0x7d: {  	[tilespmem:s19], [sflag:$0x3] =	stream.indirect.gather [hbm4b:s1+s14], $0x40, s18, s14, $0xb8;
	[tilespmem:$0x1E000] =	vst v63  }
.LBB2_5:
0x7e: {  	_ =	sfence.sel $0x180000  }
0x7f: {  	[bflag:$0x0] =	sbarrier.arrive $0xFFFF  }
0x80: {  	_ =	strace $0x90000047  }
0x81: {  	s0 =	stileid.u32;
	[bflag:$0x2] =	sbarrier.arrive $0xFFFF  }
0x82: {  	p0 =	sne.s32 s0, $0x0;
	s0 =	rddreg [dreg:$0x3]  }
0x83: {  	s0 =	sadd.s32 @!p0 $0x100000, s0  }
0x84: {  	[sflag:s0] =	ssyncadd.tile.s32 @!p0 $0x1;
	_ =	shalt  }
.Lfunc_end2:
_tile_overlayer_lowered:
.L_overlay_start_2:
0x85: {  	(tag) =	ssettag $0x2  }
0x86: {  	s0 =	rddreg [dreg:$0x0];
	s2 =	stileid.u32  }
0x87: {  	s1 =	rddreg [dreg:$0x1];
	p0 =	sne.s32 s2, $0x0  }
0x88: {  	s3 =	rddreg [dreg:$0x2];
	[bflag:$0x3] =	sbarrier.arrive $0xFFFF;
	s2 =	simm.s32 @!p0 $0x1C05  }
0x89: {  	[timem:s3], [sflag:s2] =	dma.local @!p0 [hbm:s0], s1  }
0x8a: {  	s0 =	simm.s32 @!p0 $0x5  }
0x8b: {  	_ =	swait.ge @!p0 [sflag:s0], s1  }
0x8c: {  	s1 =	ssub.s32 @!p0 $0x0, s1;
	[sflag:s0] =	ssyncset.done @!p0 $0x0  }
0x8d: {  	[sflag:s0] =	ssyncadd.s32 @!p0 s1  }
0x8e: {  	[bflag:$0x3] =	sbarrier.arrive $0xFFFF  }
0x8f: {  	_ =	shalt  }

// kernel: kernel.9.cloned.1.call-start
scs
__scs_entry_jumppad:
0x0: {  	(pc) =	sbr.rel $0x88, $3  }
0x1: {  	(tag) =	ssettag $0x0;
	lr =	simm.s32 $0x1  }
0x2: {  	[smem:$0x3F88] =	sst lr;
	_ =	strace $0xD0000000  }
0x3: {  	_ = 	snop  }
0x4: {  	_ = 	snop  }
0x5: {  	_ = 	snop  }
0x6: {  	_ = 	snop  }
0x7: {  	_ = 	snop  }
__scs_overlays_trampoline_lowered:
0x8: {  	[smem:$0x3F97] =	sst s0  }
0x9: {  	[smem:$0x3F98] =	sst s1  }
0xa: {  	[smem:$0x3F99] =	sst s2  }
0xb: {  	[smem:$0x3F9A] =	sst s3  }
0xc: {  	[smem:$0x3F9B] =	sst s4  }
0xd: {  	[smem:$0x3F9C] =	sst s5  }
0xe: {  	[smem:$0x3F9D] =	sst s6  }
0xf: {  	[smem:$0x3F9E] =	sst s7  }
0x10: {  	[smem:$0x3F9F] =	sst s8  }
0x11: {  	[smem:$0x3FA0] =	sst s9;
	s0 =	simm.s32 @!p0 $0x0  }
0x12: {  	s1 =	sld [smem:$0x3F86];
	s0 =	simm.s32 @p0 $0x1  }
0x13: {  	[smem:$0x3FA1] =	sst s0;
	s0 =	simm.s32 @!p1 $0x0  }
0x14: {  	s2 =	sld [smem:$0x3F85];
	s0 =	simm.s32 @p1 $0x1  }
0x15: {  	[smem:$0x3FA2] =	sst s0;
	s0 =	simm.s32 @!p2 $0x0  }
0x16: {  	s3 =	sld [smem:$0x3FDB];
	s0 =	simm.s32 @p2 $0x1  }
0x17: {  	s4 =	simm.s32 $0x1BF5;
	[smem:$0x3FA4] =	sst s0  }
0x18: {  	s0 =	sld [smem:$0x3F87];
	_ =	swait.ge [sflag:s4], $0x0  }
0x19: {  	s7 =	sld [smem:$0x3F88]  }
0x1a: {  	s8 =	sadd.s32 $0xFFFFE003, lr  }
0x1b: {  	s9 =	sadd.s32 $0xFFFFFEF7, lr;
	s5 =	simm.s32 $0xFFFFFFFF;
	p2 =	slt.u32 s8, $0xFFFFF086  }
0x1c: {  	p1 =	slt.u32 s9, $0xF7A;
	s5 =	simm.s32 @!p2 $0x0  }
0x1d: {  	s5 =	simm.s32 @p1 $0x1;
	p0 =	seq.s32 s7, s2  }
0x1e: {  	s7 =	smul.u32 @!p0 $0xF7A, s2;
	p2 =	seq.s32 @!p0 s5, $0x0  }
0x1f: {  	s9 =	smul.u32 $0xF7A, s1;
	s8 =	simm.s32 @!p0 $0x1BF5;
	p2 =	por !p2, p0  }
0x20: {  	[sflag:s8] =	ssyncset.s32 @!p0 $0xFFFFF086;
	s6 =	sadd.s32 @!p0 s3, s7;
	s7 =	simm.s32 @!p0 $0x108  }
0x21: {  	s3 =	sadd.s32 s3, s9;
	s6 =	sadd.s32 @!p0 $0x88, s6;
	s7 =	simm.s32 @p2 $0x1082  }
0x22: {  	[simem:s7], [sflag:s8] =	dma.local @!p0 [hbm:s6], $0xF7A  }
0x23: {  	s9 =	sor.u32 $0xD0000000, s2;
	s6 =	simm.s32 $0x108;
	_ =	swait.ge @!p0 [sflag:s8], $0x0  }
0x24: {  	s3 =	sadd.s32 $0x88, s3;
	s6 =	simm.s32 @!p1 $0x1082;
	[sflag:s4] =	ssyncset.s32 $0xFFFFF086  }
0x25: {  	[simem:s6], [sflag:s4] =	dma.local [hbm:s3], $0xF7A  }
0x26: {  	[smem:$0x3F88] =	sst s1;
	(tag) =	ssettag s2;
	_ =	strace s9  }
0x27: {  	s1 =	sld [smem:$0x3F98]  }
0x28: {  	s2 =	sld [smem:$0x3F99]  }
0x29: {  	s4 =	sld [smem:$0x3F9B]  }
0x2a: {  	p0 =	seq.s32 s5, $0x0;
	s5 =	sld [smem:$0x3F9C]  }
0x2b: {  	s6 =	sld [smem:$0x3F9D]  }
0x2c: {  	s7 =	sld [smem:$0x3F9E]  }
0x2d: {  	s3 =	simm.s32 $0x108;
	s8 =	sld [smem:$0x3F9F]  }
0x2e: {  	s3 =	simm.s32 @!p0 $0x1082;
	s9 =	sld [smem:$0x3FA0]  }
0x2f: {  	lr =	sadd.s32 s0, s3;
	s0 =	sld [smem:$0x3F97]  }
0x30: {  	s3 =	sld [smem:$0x3F9A]  }
0x31: {  	[smem:$0x3FA3] =	sst s10  }
0x32: {  	s10 =	sld [smem:$0x3FA1];
	_ =	sdelay $0x3  }
0x33: {  	p0 =	seq.s32 s10, $0x1;
	s10 =	sld [smem:$0x3FA3];
	_ =	sdelay $0x3  }
0x34: {  	[smem:$0x3FA3] =	sst s10  }
0x35: {  	s10 =	sld [smem:$0x3FA2];
	_ =	sdelay $0x3  }
0x36: {  	p1 =	seq.s32 s10, $0x1;
	s10 =	sld [smem:$0x3FA3];
	_ =	sdelay $0x3  }
0x37: {  	[smem:$0x3FA3] =	sst s10  }
0x38: {  	s10 =	sld [smem:$0x3FA4]  }
0x39: {  	_ = 	snop;
	(pc) =	sbr.ind lr, $3  }
0x3a: {  	_ = 	snop  }
0x3b: {  	_ = 	snop  }
0x3c: {  	p2 =	seq.s32 s10, $0x1;
	s10 =	sld [smem:$0x3FA3]  }
0x3d: {  	_ =	shalt  }
0x3e: {  	_ =	shalt  }
0x3f: {  	_ =	shalt  }
0x40: {  	_ =	shalt  }
0x41: {  	_ =	shalt  }
0x42: {  	_ =	shalt  }
0x43: {  	_ =	shalt  }
0x44: {  	_ =	shalt  }
0x45: {  	_ =	shalt  }
0x46: {  	_ =	shalt  }
0x47: {  	_ =	shalt  }
0x48: {  	_ =	shalt  }
0x49: {  	_ =	shalt  }
0x4a: {  	_ =	shalt  }
0x4b: {  	_ =	shalt  }
0x4c: {  	_ =	shalt  }
0x4d: {  	_ =	shalt  }
0x4e: {  	_ =	shalt  }
0x4f: {  	_ =	shalt  }
0x50: {  	_ =	shalt  }
0x51: {  	_ =	shalt  }
0x52: {  	_ =	shalt  }
0x53: {  	_ =	shalt  }
0x54: {  	_ =	shalt  }
0x55: {  	_ =	shalt  }
0x56: {  	_ =	shalt  }
0x57: {  	_ =	shalt  }
0x58: {  	_ =	shalt  }
0x59: {  	_ =	shalt  }
0x5a: {  	_ =	shalt  }
0x5b: {  	_ =	shalt  }
0x5c: {  	_ =	shalt  }
0x5d: {  	_ =	shalt  }
0x5e: {  	_ =	shalt  }
0x5f: {  	_ =	shalt  }
0x60: {  	_ =	shalt  }
0x61: {  	_ =	shalt  }
0x62: {  	_ =	shalt  }
0x63: {  	_ =	shalt  }
0x64: {  	_ =	shalt  }
0x65: {  	_ =	shalt  }
0x66: {  	_ =	shalt  }
0x67: {  	_ =	shalt  }
0x68: {  	_ =	shalt  }
0x69: {  	_ =	shalt  }
0x6a: {  	_ =	shalt  }
0x6b: {  	_ =	shalt  }
0x6c: {  	_ =	shalt  }
0x6d: {  	_ =	shalt  }
0x6e: {  	_ =	shalt  }
0x6f: {  	_ =	shalt  }
0x70: {  	_ =	shalt  }
0x71: {  	_ =	shalt  }
0x72: {  	_ =	shalt  }
0x73: {  	_ =	shalt  }
0x74: {  	_ =	shalt  }
0x75: {  	_ =	shalt  }
0x76: {  	_ =	shalt  }
0x77: {  	_ =	shalt  }
0x78: {  	_ =	shalt  }
0x79: {  	_ =	shalt  }
0x7a: {  	_ =	shalt  }
0x7b: {  	_ =	shalt  }
0x7c: {  	_ =	shalt  }
0x7d: {  	_ =	shalt  }
0x7e: {  	_ =	shalt  }
0x7f: {  	_ =	shalt  }
0x80: {  	_ =	shalt  }
0x81: {  	_ =	shalt  }
0x82: {  	_ =	shalt  }
0x83: {  	_ =	shalt  }
0x84: {  	_ =	shalt  }
0x85: {  	_ =	shalt  }
0x86: {  	_ =	shalt  }
0x87: {  	_ =	shalt  }
.Lfunc_end0:
.L_simem_size_0:
called_computation.1_lowered:
.L_overlay_start_0:
0x88: {  	s2 =	sld [smem:$0x3FD9]  }
0x89: {  	s3 =	sld [smem:$0x3FFE];
	_ =	sdelay $0x1  }
0x8a: {  	s1 =	srdreg.scid  }
0x8b: {  	s0 =	sand.u32 $0x1, s1  }
0x8c: {  	s16 =	sshll.u32 s0, $0xA;
	s2 =	sadd.s32 s3, s2  }
0x8d: {  	s2 =	sadd.s32 s2, s16  }
0x8e: {  	[smem:$0x3FAF] =	sst s2  }
0x8f: {  	_ = 	snop  }
0x90: {  	(tm) =	ssettm $0x1  }
0x91: {  	s17 =	sld [smem:$0x3FFB];
	_ =	sdelay $0x3  }
0x92: {  	_ =	strace s17  }
0x93: {  	s2 =	sld [smem:$0x3FFC];
	_ =	sdelay $0x3  }
0x94: {  	_ =	strace s2  }
0x95: {  	s2 =	sld [smem:$0x3FFD];
	_ =	sdelay $0x3  }
0x96: {  	_ =	strace s2  }
0x97: {  	_ =	strace $0x8FFFFFFF  }
0x98: {  	s18 =	sld [smem:$0x3FDB];
	_ =	sdelay $0x1  }
0x99: {  	s19 =	simm.s32 $_scs_section_size  }
0x9a: {  	s4 =	simm.s32 $_size__tile_overlayer_lowered;
	s5 =	simm.s32 $_tile_overlayer_lowered  }
0x9b: {  	s22 =	simm.s32 $0x1BFF;
	s21 =	sshll.u32 s5, $0x1;
	s2 =	sadd.s32 s19, s18  }
0x9c: {  	s6 =	simm.s32 $0x0;
	s20 =	sshll.u32 s4, $0x1;
	s4 =	sadd.s32 s21, s2  }
0x9d: {  	[timem:s6], [sflag:s22] =	dma.local [hbm:s4], s20  }
0x9e: {  	_ =	swait.ge [sflag:s22], s20  }
0x9f: {  	s3 =	ssub.s32 $0x0, s20;
	[sflag:s22] =	ssyncset.done $0x0  }
0xa0: {  	[sflag:s22] =	ssyncadd.s32 s3;
	_ =	sdelay $0x1  }
0xa1: {  	s23 =	simm.s32 $0x1B8B  }
0xa2: {  	_ =	swait.ge [sflag:s23], $0x1  }
0xa3: {  	[sflag:s23] =	ssyncset.done $0x0  }
0xa4: {  	s25 =	simm.s32 $0x1B8E;
	s24 =	sld [smem:$0x3FFE];
	[sflag:s23] =	ssyncadd.s32 $0xFFFFFFFF  }
0xa5: {  	s26 =	simm.s32 $execute0_lowered;
	[smem:$0x3FD2] =	sst s25  }
0xa6: {  	s4 =	sshll.u32 s26, $0x1;
	_ =	strace $0x80000049;
	[dreg:$0x1] =	wrdreg $0xFFFFFFFF  }
0xa7: {  	s28 =	simm.s32 $_size_execute0_lowered;
	s2 =	sadd.s32 s2, s4;
	[dreg:$0x0] =	wrdreg $0x0  }
0xa8: {  	s4 =	sshll.u32 s28, $0x1;
	[dreg:$0x2] =	wrdreg s2  }
0xa9: {  	[dreg:$0x3] =	wrdreg s4  }
0xaa: {  	[dreg:$0x4] =	wrdreg $0xC0  }
0xab: {  	_ =	task [dreg:s6], $0x5FFFF  }
0xac: {  	[dreg:$0x1] =	wrdreg $0xFFFFFFFF  }
0xad: {  	[dreg:$0x0] =	wrdreg $0x60  }
0xae: {  	[dreg:$0x2] =	wrdreg s24  }
0xaf: {  	[dreg:$0x3] =	wrdreg $0x140000  }
0xb0: {  	[dreg:$0x4] =	wrdreg $0x9  }
0xb1: {  	_ =	task.clear_ibuf [dreg:s6], $0x5FFFF;
	_ =	strace $0x90000049  }
0xb2: {  	s29 =	simm.s32 $0x9;
	_ =	strace $0x8000004B  }
0xb3: {  	_ =	swait.ge [sflag:s29], $0x1  }
0xb4: {  	[sflag:s29] =	ssyncadd.s32 $0xFFFFFFFF  }
0xb5: {  	_ =	strace $0x9000004B  }
0xb6: {  	_ =	sfence  }
0xb7: {  	s30 =	sld [smem:$0x0];
	_ =	sdelay $0x2  }
0xb8: {  	s31 =	sshll.u32 s1, $0xD;
	s1 =	sshrl.u32 s1, $0x2  }
0xb9: {  	s3 =	sand.u32 $0x4000, s31;
	s1 =	sadd.s32 s1, s30  }
0xba: {  	s0 =	sor.u32 s3, s0;
	s1 =	sshll.u32 s1, $0x11  }
0xbb: {  	s0 =	sor.u32 s1, s0  }
0xbc: {  	s0 =	sadd.s32 $0x8F2B, s0  }
0xbd: {  	[sflag:s0] =	ssyncadd.remote.s32 $0x1  }
0xbe: {  	_ =	sfence.sel $0xFFFF  }
0xbf: {  	[dreg:$0x0] =	wrdreg $0xFFFFFFFF;
	(pc) =	sbr.abs _section_cstart, $3  }
0xc0: {  	[dreg:$0x1] =	wrdreg $0xFFFFFFFF  }
0xc1: {  	_ =	task.clear_ibuf [dreg:s6], $0x2FFFF;
	_ =	strace $0x9FFFFFFF  }
0xc2: {  	(tm) =	ssettm $0x7FFFFFFF  }
0xc3: {  	_ =	shalt  }
tec
execute0_lowered:
.L_overlay_start_1:
0x0: {  	(tag) =	ssettag $0x1  }
0x1: {  	s0 =	srdreg.scid;
	s1 =	rddreg [dreg:$0x0]  }
0x2: {  	s12 =	stileid.u32;
	s2 =	rddreg [dreg:$0x1]  }
0x3: {  	s3 =	simm.s32 $0x0;
	s10 =	simm.s32 $0x5;
	s11 =	simm.s32 $0x5000  }
0x4: {  	s14 =	simm.s32 $0x7D;
	s15 =	simm.s32 $0xA000;
	s17 =	simm.s32 $0xC000  }
0x5: {  	s19 =	simm.s32 $0xE000;
	s20 =	simm.s32 $0x1;
	s22 =	simm.s32 $0x10000  }
0x6: {  	s23 =	simm.s32 $0x2;
	s29 =	simm.s32 $0x280;
	s5 =	smul.u32 $0x5000, s12  }
0x7: {  	s30 =	simm.s32 $0x4;
	s0 =	sand.u32 $0x1, s0;
	s8 =	smul.u32 $0xA000, s12  }
0x8: {  	s31 =	simm.s32 $0x5180;
	[smem:$0x7FF] =	sst s3;
	s4 =	smul.u32 $0x50000, s0  }
0x9: {  	s28 =	sshll.u32 s12, $0x6;
	s7 =	smul.u32 $0xA0000, s0;
	s0 =	ssub.s32 $0x2, s0  }
0xa: {  	_ =	strace $0x8000004A;
	s12 =	sor.u32 $0x1C05, s28;
	s26 =	sshrl.u32 s0, $0x1  }
0xb: {  	s13 =	sadd.s32 s8, s2;
	s6 =	sadd.s32 s5, s4;
	s4 =	sadd.s32 $0x23400, s1  }
0xc: {  	s5 =	sshrl.u32 s5, $0x3;
	s7 =	sadd.s32 s8, s7;
	s0 =	ssub.s32 s0, s26  }
.Ltmp0:
0xd: {  	s13 =	sshrl.u32 s13, $0x3;
	s26 =	simm.s32 $0x3;
	(pc) =	sbr.rel .LBB2_1-.Ltmp0, $4  }
0xe: {  	s6 =	sshrl.u32 s6, $0x3;
	s9 =	sadd.s32 s5, s1;
	s7 =	sshrl.u32 s7, $0x3  }
0xf: {  	s5 =	sadd.s32 $0x22000, s1;
	s6 =	sadd.s32 s6, s1;
	s1 =	sadd.s32 s7, s1  }
0x10: {  	s7 =	sadd.s32 $0x4000, s9;
	s9 =	smax.u32 s0, $0x1;
	s0 =	simm.s32 $0x0  }
0x11: {  	s6 =	sadd.s32 $0xE000, s6;
	s8 =	sadd.s32 $0x4A600, s1;
	s1 =	simm.s32 $0x300  }
.LBB2_4:
0x12: {  	_ =	swait.ge [sflag:s20], $0x1F40  }
0x13: {  	[sflag:s20] =	ssyncset.done $0x0  }
0x14: {  	[sflag:s20] =	ssyncadd.s32 $0xFFFFE0C0  }
0x15: {  	_ =	swait.ge [sflag:s23], $0x1F40  }
0x16: {  	[sflag:s23] =	ssyncset.done $0x0  }
0x17: {  	[sflag:s23] =	ssyncadd.s32 $0xFFFFE0C0  }
0x18: {  	_ =	swait.ge [sflag:s26], $0x1F40  }
0x19: {  	[sflag:s26] =	ssyncset.done $0x0  }
0x1a: {  	[sflag:s26] =	ssyncadd.s32 $0xFFFFE0C0  }
0x1b: {  	_ =	swait.ge [sflag:s30], $0x1F40  }
0x1c: {  	s0 =	sadd.s32 $0x1, s0;
	[sflag:s30] =	ssyncset.done $0x0  }
0x1d: {  	p0 =	sne.s32 s0, s9;
	[sflag:s30] =	ssyncadd.s32 $0xFFFFE0C0  }
.Ltmp1:
0x1e: {  	[bflag:$0x0] =	sbarrier.arrive $0xFFFF;
	(pc) =	sbr.rel @!p0 .LBB2_5-.Ltmp1, $4  }
0x1f: {  	[hbm:s8], [sflag:s12] =	dma.local [spmem:s13], $0x1400  }
0x20: {  	_ =	swait.ge [sflag:s10], $0x1400  }
0x21: {  	[sflag:s10] =	ssyncset.done $0x0  }
0x22: {  	[sflag:s10] =	ssyncadd.s32 $0xFFFFEC00  }
.LBB2_1:
0x23: {  	[tilespmem:s3], [sflag:$0x5] =	stream.linear.gather [hbm4b:s6+s3], $0x5000, $0x38;
	[tilespmem:$0x1E000] =	vst v63  }
0x24: {  	_ =	swait.ge [sflag:s10], $0x5000  }
0x25: {  	[sflag:s10] =	ssyncset.done $0x0  }
0x26: {  	[sflag:s10] =	ssyncadd.s32 $0xFFFFB000  }
0x27: {  	[tilespmem:s11], [sflag:$0x5] =	stream.linear.gather [hbm4b:s7+s3], $0x5000, $0x38;
	[tilespmem:$0x1E000] =	vst v63  }
0x28: {  	_ =	swait.ge [sflag:s10], $0x5000  }
0x29: {  	[sflag:s10] =	ssyncset.done $0x0  }
0x2a: {  	[sflag:s10] =	ssyncadd.s32 $0xFFFFB000  }
0x2b: {  	[spmem:s13], [sflag:s12] =	dma.local [hbm:s5], $0x1400  }
0x2c: {  	_ =	swait.ge [sflag:s10], $0x1400  }
0x2d: {  	[sflag:s10] =	ssyncset.done $0x0  }
0x2e: {  	[sflag:s10] =	ssyncadd.s32 $0xFFFFEC00  }
0x2f: {  	[bflag:$0x0] =	sbarrier.arrive $0xFFFF  }
0x30: {  	[tilespmem:s15], [sflag:$0x1] =	stream.indirect.gather [hbm4b:s4+s14], $0x40, s3, s14, $0xb8;
	[tilespmem:$0x1E000] =	vst v63  }
0x31: {  	s16 =	simm.s32 $0x80  }
0x32: {  	[tilespmem:s17], [sflag:$0x2] =	stream.indirect.gather [hbm4b:s4+s14], $0x40, s16, s14, $0xb8;
	[tilespmem:$0x1E000] =	vst v63  }
0x33: {  	s18 =	simm.s32 $0x100  }
0x34: {  	[tilespmem:s19], [sflag:$0x3] =	stream.indirect.gather [hbm4b:s4+s14], $0x40, s18, s14, $0xb8;
	[tilespmem:$0x1E000] =	vst v63  }
0x35: {  	_ =	swait.ge [sflag:s20], $0x1F40  }
0x36: {  	[sflag:s20] =	ssyncset.done $0x0  }
0x37: {  	[sflag:s20] =	ssyncadd.s32 $0xFFFFE0C0  }
0x38: {  	[spmem:s2] =	stream.indirect.scatter.add.f32 [tilespmem:s15], [sflag:$0x1], $0x40, s11, s14, $0xb8;
	[tilespmem:$0x1E000] =	vst v63  }
0x39: {  	s21 =	simm.s32 $0x180  }
0x3a: {  	[tilespmem:s22], [sflag:$0x4] =	stream.indirect.gather [hbm4b:s4+s14], $0x40, s21, s14, $0xb8;
	[tilespmem:$0x1E000] =	vst v63  }
0x3b: {  	_ =	swait.ge [sflag:s23], $0x1F40  }
0x3c: {  	[sflag:s23] =	ssyncset.done $0x0  }
0x3d: {  	s24 =	simm.s32 $0x5080;
	[sflag:s23] =	ssyncadd.s32 $0xFFFFE0C0  }
0x3e: {  	[spmem:s2] =	stream.indirect.scatter.add.f32 [tilespmem:s17], [sflag:$0x2], $0x40, s24, s14, $0xb8;
	[tilespmem:$0x1E000] =	vst v63  }
0x3f: {  	_ =	swait.ge [sflag:s20], $0x1F40  }
0x40: {  	[sflag:s20] =	ssyncset.done $0x0  }
0x41: {  	s25 =	simm.s32 $0x200;
	[sflag:s20] =	ssyncadd.s32 $0xFFFFE0C0  }
0x42: {  	[tilespmem:s15], [sflag:$0x1] =	stream.indirect.gather [hbm4b:s4+s14], $0x40, s25, s14, $0xb8;
	[tilespmem:$0x1E000] =	vst v63  }
0x43: {  	_ =	swait.ge [sflag:s26], $0x1F40  }
0x44: {  	[sflag:s26] =	ssyncset.done $0x0  }
0x45: {  	s28 =	simm.s32 $0x5100;
	[sflag:s26] =	ssyncadd.s32 $0xFFFFE0C0  }
0x46: {  	[spmem:s2] =	stream.indirect.scatter.add.f32 [tilespmem:s19], [sflag:$0x3], $0x40, s28, s14, $0xb8;
	[tilespmem:$0x1E000] =	vst v63  }
0x47: {  	_ =	swait.ge [sflag:s23], $0x1F40  }
0x48: {  	[sflag:s23] =	ssyncset.done $0x0  }
0x49: {  	[sflag:s23] =	ssyncadd.s32 $0xFFFFE0C0  }
0x4a: {  	[tilespmem:s17], [sflag:$0x2] =	stream.indirect.gather [hbm4b:s4+s14], $0x40, s29, s14, $0xb8;
	[tilespmem:$0x1E000] =	vst v63  }
0x4b: {  	_ =	swait.ge [sflag:s30], $0x1F40  }
0x4c: {  	[sflag:s30] =	ssyncset.done $0x0  }
0x4d: {  	[sflag:s30] =	ssyncadd.s32 $0xFFFFE0C0  }
0x4e: {  	[spmem:s2] =	stream.indirect.scatter.add.f32 [tilespmem:s22], [sflag:$0x4], $0x40, s31, s14, $0xb8;
	[tilespmem:$0x1E000] =	vst v63  }
0x4f: {  	_ =	swait.ge [sflag:s26], $0x1F40  }
0x50: {  	[sflag:s26] =	ssyncset.done $0x0  }
0x51: {  	s16 =	simm.s32 $0x0;
	[sflag:s26] =	ssyncadd.s32 $0xFFFFE0C0  }
0x52: {  	[tilespmem:s19], [sflag:$0x3] =	stream.indirect.gather [hbm4b:s4+s14], $0x40, s1, s14, $0xb8;
	[tilespmem:$0x1E000] =	vst v63  }
.LBB2_2:
0x53: {  	_ =	swait.ge [sflag:s20], $0x1F40  }
0x54: {  	s18 =	sshra.s32 s16, $0x2;
	[sflag:s20] =	ssyncset.done $0x0  }
0x55: {  	s21 =	sadd.s32 $0x5200, s18;
	[sflag:s20] =	ssyncadd.s32 $0xFFFFE0C0  }
0x56: {  	[spmem:s2] =	stream.indirect.scatter.add.f32 [tilespmem:s15], [sflag:$0x1], $0x40, s21, s14, $0xb8;
	[tilespmem:$0x1E000] =	vst v63  }
0x57: {  	_ =	swait.ge [sflag:s30], $0x1F40  }
0x58: {  	[sflag:s30] =	ssyncset.done $0x0  }
0x59: {  	s24 =	sadd.s32 $0x380, s18;
	[sflag:s30] =	ssyncadd.s32 $0xFFFFE0C0  }
0x5a: {  	[tilespmem:s22], [sflag:$0x4] =	stream.indirect.gather [hbm4b:s4+s14], $0x40, s24, s14, $0xb8;
	[tilespmem:$0x1E000] =	vst v63  }
0x5b: {  	_ =	swait.ge [sflag:s23], $0x1F40  }
0x5c: {  	p0 =	seq.s32 s16, $0x13000;
	[sflag:s23] =	ssyncset.done $0x0  }
0x5d: {  	s25 =	sadd.s32 $0x5280, s18;
	s21 =	simm.s32 @p0 $0x3;
	[sflag:s23] =	ssyncadd.s32 $0xFFFFE0C0  }
0x5e: {  	[spmem:s2] =	stream.indirect.scatter.add.f32 [tilespmem:s17], [sflag:$0x2], $0x40, s25, s14, $0xb8;
	[tilespmem:$0x1E000] =	vst v63  }
0x5f: {  	_ =	swait.ge @p0 [sflag:s21], $0x1F40  }
0x60: {  	[sflag:s21] =	ssyncset.done @p0 $0x0  }
0x61: {  	[sflag:s21] =	ssyncadd.s32 @p0 $0xFFFFE0C0;
	s21 =	sshra.s32 @p0 s16, $0x2  }
0x62: {  	s24 =	simm.s32 @p0 $0x7D;
	s25 =	simm.s32 @p0 $0xE000;
	s21 =	sadd.s32 @p0 $0x5300, s21  }
0x63: {  	[spmem:s2] =	stream.indirect.scatter.add.f32 @p0 [tilespmem:s25], [sflag:$0x3], $0x40, s21, s24, $0xb8;
	[tilespmem:$0x1E000] =	vst v63  }
0x64: {  	s21 =	simm.s32 @!p0 $0x1  }
0x65: {  	_ =	swait.ge @!p0 [sflag:s21], $0x1F40  }
0x66: {  	[sflag:s21] =	ssyncset.done @!p0 $0x0  }
0x67: {  	[sflag:s21] =	ssyncadd.s32 @!p0 $0xFFFFE0C0;
	s21 =	sshra.s32 @!p0 s16, $0x2  }
0x68: {  	s28 =	simm.s32 @!p0 $0xA000;
	s25 =	simm.s32 @!p0 $0x7D;
	s24 =	sadd.s32 @!p0 $0x400, s21  }
0x69: {  	[tilespmem:s28], [sflag:$0x1] =	stream.indirect.gather @!p0 [hbm4b:s4+s25], $0x40, s24, s25, $0xb8;
	[tilespmem:$0x1E000] =	vst v63  }
0x6a: {  	s24 =	simm.s32 @!p0 $0x3  }
0x6b: {  	_ =	swait.ge @!p0 [sflag:s24], $0x1F40  }
0x6c: {  	[sflag:s24] =	ssyncset.done @!p0 $0x0  }
0x6d: {  	s28 =	simm.s32 @!p0 $0xE000;
	[sflag:s24] =	ssyncadd.s32 @!p0 $0xFFFFE0C0;
	s24 =	sadd.s32 @!p0 $0x5300, s21  }
0x6e: {  	[spmem:s2] =	stream.indirect.scatter.add.f32 @!p0 [tilespmem:s28], [sflag:$0x3], $0x40, s24, s25, $0xb8;
	[tilespmem:$0x1E000] =	vst v63  }
0x6f: {  	s24 =	simm.s32 @!p0 $0x2  }
0x70: {  	_ =	swait.ge @!p0 [sflag:s24], $0x1F40  }
0x71: {  	[sflag:s24] =	ssyncset.done @!p0 $0x0  }
0x72: {  	s21 =	sadd.s32 @!p0 $0x480, s21;
	[sflag:s24] =	ssyncadd.s32 @!p0 $0xFFFFE0C0;
	s24 =	simm.s32 @!p0 $0xC000  }
0x73: {  	[tilespmem:s24], [sflag:$0x2] =	stream.indirect.gather @!p0 [hbm4b:s4+s25], $0x40, s21, s25, $0xb8;
	[tilespmem:$0x1E000] =	vst v63  }
.Ltmp2:
0x74: {  	_ = 	snop;
	(pc) =	sbr.rel @p0 .LBB2_4-.Ltmp2, $4  }
0x75: {  	_ =	swait.ge [sflag:s30], $0x1F40  }
0x76: {  	[sflag:s30] =	ssyncset.done $0x0  }
0x77: {  	s28 =	sadd.s32 $0x5380, s18;
	[sflag:s30] =	ssyncadd.s32 $0xFFFFE0C0  }
0x78: {  	[spmem:s2] =	stream.indirect.scatter.add.f32 [tilespmem:s22], [sflag:$0x4], $0x40, s28, s14, $0xb8;
	[tilespmem:$0x1E000] =	vst v63  }
.Ltmp3:
0x79: {  	(pc) =	sbr.rel .LBB2_2-.Ltmp3, $4  }
0x7a: {  	_ =	swait.ge [sflag:s26], $0x1F40  }
0x7b: {  	[sflag:s26] =	ssyncset.done $0x0  }
0x7c: {  	s18 =	sadd.s32 $0x500, s18;
	s16 =	sadd.s32 $0x800, s16;
	[sflag:s26] =	ssyncadd.s32 $0xFFFFE0C0  }
0x7d: {  	[tilespmem:s19], [sflag:$0x3] =	stream.indirect.gather [hbm4b:s4+s14], $0x40, s18, s14, $0xb8;
	[tilespmem:$0x1E000] =	vst v63  }
.LBB2_5:
0x7e: {  	_ =	sfence.sel $0x180000  }
0x7f: {  	[bflag:$0x0] =	sbarrier.arrive $0xFFFF  }
0x80: {  	_ =	strace $0x9000004A  }
0x81: {  	s0 =	stileid.u32;
	[bflag:$0x2] =	sbarrier.arrive $0xFFFF  }
0x82: {  	p0 =	sne.s32 s0, $0x0;
	s0 =	rddreg [dreg:$0x2]  }
0x83: {  	s0 =	sadd.s32 @!p0 $0x100000, s0  }
0x84: {  	[sflag:s0] =	ssyncadd.tile.s32 @!p0 $0x1;
	_ =	shalt  }
.Lfunc_end2:
_tile_overlayer_lowered:
.L_overlay_start_2:
0x85: {  	(tag) =	ssettag $0x2  }
0x86: {  	s0 =	rddreg [dreg:$0x0];
	s2 =	stileid.u32  }
0x87: {  	s1 =	rddreg [dreg:$0x1];
	p0 =	sne.s32 s2, $0x0  }
0x88: {  	s3 =	rddreg [dreg:$0x2];
	[bflag:$0x3] =	sbarrier.arrive $0xFFFF;
	s2 =	simm.s32 @!p0 $0x1C05  }
0x89: {  	[timem:s3], [sflag:s2] =	dma.local @!p0 [hbm:s0], s1  }
0x8a: {  	s0 =	simm.s32 @!p0 $0x5  }
0x8b: {  	_ =	swait.ge @!p0 [sflag:s0], s1  }
0x8c: {  	s1 =	ssub.s32 @!p0 $0x0, s1;
	[sflag:s0] =	ssyncset.done @!p0 $0x0  }
0x8d: {  	[sflag:s0] =	ssyncadd.s32 @!p0 s1  }
0x8e: {  	[bflag:$0x3] =	sbarrier.arrive $0xFFFF  }
0x8f: {  	_ =	shalt  }

</sc_bundles>
